<compile_context>
chip_gen: v7x
topology: tpu7x:2x2x1
jax: 0.10.2.dev20260603
libtpu: 0.0.44.dev20260713+nightly
codegen_flags: <defaults>
</compile_context>

<pallas_src>
import functools

import jax
import jax.numpy as jnp
from jax import lax
from jax.experimental import pallas as pl
from jax.experimental.pallas import tpu as pltpu
from jax.experimental.pallas import tpu_sc as plsc

B0, B1, B2, B3 = 8, 1, 512, 512
P_TOTAL = B0 * B1 * B2 * B3
NB = 4096
NTILES = 32
UNROLL = 8
WR = 16
RPT = B2 // 4
NWP = RPT // WR // 2
VPW = WR * B3 // 16


def _prep_body(x_ref, l_ref, pk_ref, params_ref, mn_scr, mx_scr):
    x = x_ref[...]
    l = l_ref[...]
    lf = l.astype(jnp.float32)
    e = 1.0 - x * (2.0 * lf - 1.0)
    pk = (lax.bitcast_convert_type(e, jnp.int32) & -2) | l
    pk_ref[...] = pk
    ep = lax.bitcast_convert_type(pk, jnp.float32)
    m = jnp.full((1, 1), jnp.min(ep))
    M = jnp.full((1, 1), jnp.max(ep))

    @pl.when(pl.program_id(0) == 0)
    def _():
        mn_scr[...] = m
        mx_scr[...] = M

    mn_scr[...] = jnp.minimum(mn_scr[...], m)
    mx_scr[...] = jnp.maximum(mx_scr[...], M)

    @pl.when(pl.program_id(0) == B0 - 1)
    def _():
        emin = mn_scr[...]
        span = mx_scr[...] - emin
        scale = jnp.where(span > 0.0, (NB - 1.0) / span, 0.0)
        lane = lax.broadcasted_iota(jnp.int32, (1, 16), 1)
        pv = jnp.where(lane == 0, emin, jnp.where(lane == 1, scale, 0.0))
        params_ref[...] = pv


def _prep(x4d, l4d):
    return pl.pallas_call(
        _prep_body,
        grid=(B0,),
        in_specs=[
            pl.BlockSpec((1, B1, B2, B3), lambda i: (i, 0, 0, 0)),
            pl.BlockSpec((1, B1, B2, B3), lambda i: (i, 0, 0, 0)),
        ],
        out_specs=[
            pl.BlockSpec((1, B1, B2, B3), lambda i: (i, 0, 0, 0)),
            pl.BlockSpec((1, 16), lambda i: (0, 0)),
        ],
        out_shape=[
            jax.ShapeDtypeStruct((B0, B1, B2, B3), jnp.int32),
            jax.ShapeDtypeStruct((1, 16), jnp.float32),
        ],
        scratch_shapes=[
            pltpu.VMEM((1, 1), jnp.float32),
            pltpu.VMEM((1, 1), jnp.float32),
        ],
    )(x4d, l4d)


def _sc_hist_body(pk_hbm, params_hbm, out_hbm, table, xb, pbuf, s0, s1):
    wid = lax.axis_index("s") * 2 + lax.axis_index("c")
    bidx = wid // 4
    r0 = (wid % 4) * RPT

    pltpu.sync_copy(params_hbm, pbuf)
    pv = pbuf[0, pl.ds(0, 16)]
    emin = pv[0]
    scale = pv[1]
    offs = emin * scale

    def win_src(w):
        return pk_hbm.at[bidx, 0, pl.ds(r0 + w * WR, WR), :]

    pltpu.async_copy(win_src(0), xb.at[0], s0)

    zeros16 = jnp.zeros((16,), jnp.float32)

    def zero_body(i, c):
        for u in range(UNROLL):
            table[pl.ds((i * UNROLL + u) * 16, 16)] = zeros16
        return c

    lax.fori_loop(0, 4 * NB // 16 // UNROLL, zero_body, 0)

    ones = jnp.full((16,), 1.0, jnp.float32)

    def process(slot):
        @plsc.parallel_loop(0, VPW, unroll=UNROLL)
        def _elem_body(j):
            r = lax.shift_right_logical(j, 5)
            cc = (j & 31) * 16
            pk = xb[slot, r, pl.ds(cc, 16)]
            li = pk & 1
            e = lax.bitcast_convert_type(pk, jnp.float32)
            g = jnp.where(e > 0.0, e + 1.0, jnp.exp(e))
            b = (e * scale - offs).astype(jnp.int32)
            b = jnp.minimum(b, NB - 1)
            idx = b + li * NB
            plsc.addupdate_scatter(table, [idx], ones)
            plsc.addupdate_scatter(table, [idx + 2 * NB], g)

    def wait_slot(slot, sem):
        pltpu.make_async_copy(win_src(0), xb.at[slot], sem).wait()

    def wp_body(wp, c):
        w0 = wp * 2
        pltpu.async_copy(win_src(w0 + 1), xb.at[1], s1)
        wait_slot(0, s0)
        process(0)

        @pl.when(wp < NWP - 1)
        def _():
            pltpu.async_copy(win_src(w0 + 2), xb.at[0], s0)

        wait_slot(1, s1)
        process(1)
        return c

    lax.fori_loop(0, NWP, wp_body, 0)
    pltpu.sync_copy(table, out_hbm.at[wid])


_sc_hist = functools.partial(
    pl.kernel,
    out_type=jax.ShapeDtypeStruct((NTILES, 4 * NB), jnp.float32),
    mesh=plsc.VectorSubcoreMesh(core_axis_name="c", subcore_axis_name="s"),
    compiler_params=pltpu.CompilerParams(needs_layout_passes=False),
    scratch_types=[
        pltpu.VMEM((4 * NB,), jnp.float32),
        pltpu.VMEM((2, WR, B3), jnp.int32),
        pltpu.VMEM((1, 16), jnp.float32),
        pltpu.SemaphoreType.DMA,
        pltpu.SemaphoreType.DMA,
    ],
)(_sc_hist_body)


def _finish_body(h_ref, out_ref):
    h = h_ref[...]
    s = jnp.sum(h, axis=0)
    s4 = s.reshape(4, 32, 128)
    cp = s4[0]
    cn = s4[1]
    gp = s4[2]
    gn = s4[3]

    rows = lax.broadcasted_iota(jnp.int32, (128, 128), 0)
    cols = lax.broadcasted_iota(jnp.int32, (128, 128), 1)
    upper = (rows <= cols).astype(jnp.float32)
    rows32 = lax.broadcasted_iota(jnp.int32, (32, 32), 0)
    cols32 = lax.broadcasted_iota(jnp.int32, (32, 32), 1)
    lstrict = (cols32 < rows32).astype(jnp.float32)

    def incl_cumsum(a):
        within = jnp.dot(a, upper, preferred_element_type=jnp.float32,
                         precision=lax.Precision.HIGHEST)
        row_tot = jnp.sum(a, axis=1, keepdims=True)
        row_pre = jnp.dot(lstrict, row_tot,
                          preferred_element_type=jnp.float32,
                          precision=lax.Precision.HIGHEST)
        return within + row_pre

    G = jnp.sum(cp)
    P = G - incl_cumsum(cp)
    N = jnp.sum(cn) - incl_cumsum(cn)
    tn = cn
    GN = G + N
    term_pos = jnp.where(gp > 0.0, gp / (GN + tn), 0.0)
    grp = jnp.where(GN > 0.0,
                    (G - P) * (1.0 / GN - 1.0 / (GN + tn)),
                    1.0)
    term_neg = jnp.where(tn > 0.0, (gn / tn) * grp, 0.0)
    out_ref[...] = jnp.full((1, 1), jnp.sum(term_pos + term_neg))


def _finish(hist):
    return pl.pallas_call(
        _finish_body,
        out_shape=jax.ShapeDtypeStruct((1, 1), jnp.float32),
    )(hist)


def kernel(logits, labels):
    pk, params = _prep(logits, labels)
    hist = _sc_hist(pk, params)
    loss = _finish(hist)
    return loss[0, 0]

# --- scband reference (transcript-rebuilt; emitter-appended) ---
"""Pipeline reference for scband-lovasz-loss-18811956757125 (READ-ONLY COPY).

The authoritative reference and input builder live on the scoring server;
editing this copy changes nothing except your own understanding.
"""

import jax, jax.numpy as jnp
import numpy as np

P = 8 * 1 * 512 * 512

def setup_inputs(seed: int = 0) -> dict:
    key = jax.random.key(seed)
    k1, k2 = jax.random.split(key)
    logits = jax.random.normal(k1, (8, 1, 512, 512), dtype=jnp.float32)
    labels = jax.random.randint(k2, (8, 1, 512, 512), 0, 2, dtype=jnp.int32)
    return {"logits": logits, "labels": labels}

def _lovasz_hinge_flat(logits, labels):
    logits = logits.reshape(-1)
    labels = labels.reshape(-1).astype(jnp.float32)
    signs = 2.0 * labels - 1.0
    errors = 1.0 - logits * signs
    perm = jnp.argsort(-errors)
    errors_sorted = errors[perm]
    gt_sorted = labels[perm]
    gts = gt_sorted.sum()
    intersection = gts - jnp.cumsum(gt_sorted)
    union = gts + jnp.cumsum(1.0 - gt_sorted)
    jaccard = 1.0 - intersection / union
    jaccard = jaccard.at[1:].set(jaccard[1:] - jaccard[:-1])
    loss = jnp.dot(jax.nn.elu(errors_sorted) + 1.0, jaccard)
    return loss

def reference(logits, labels):
    return _lovasz_hinge_flat(logits, labels)

if __name__ == "__main__":
    import jax
    _d = setup_inputs()
    print(jax.jit(kernel)(*tuple(_d.values())))

</pallas_src>

<mosaic_0001>
#map = affine_map<(d0, d1) -> (0, 0, 0, 0)>
#map1 = affine_map<(d0, d1) -> (0, 0)>
module attributes {stable_mosaic.version = 14 : i64} {
  func.func @_sc_hist_body(%arg0: i32, %arg1: i32, %arg2: memref<8x1x512x512xi32, #tpu.memory_space<hbm>>, %arg3: memref<1x16xf32, #tpu.memory_space<hbm>>, %arg4: memref<32x16384xf32, #tpu.memory_space<hbm>>, %arg5: memref<16384xf32, #tpu.memory_space<vmem>>, %arg6: memref<2x16x512xi32, #tpu.memory_space<vmem>>, %arg7: memref<1x16xf32, #tpu.memory_space<vmem>>, %arg8: memref<!tpu.dma_semaphore, #tpu.memory_space<semaphore_mem>>, %arg9: memref<!tpu.dma_semaphore, #tpu.memory_space<semaphore_mem>>) attributes {dimension_semantics = [#tpu.dimension_semantics<core_parallel>, #tpu.dimension_semantics<subcore_parallel>], iteration_bounds = array<i64: 2, 16>, scalar_prefetch = 0 : i64, scratch_operands = 5 : i64, tpu.core_type = #tpu.core_type<sc_vector_subcore>, window_params = [{transform_indices = #map}, {transform_indices = #map1}, {transform_indices = #map1}]} {
    %mul3A = arith.constant 2 : i32
    %mul3A_0 = arith.muli %arg1, %mul3A : i32
    %add3A = arith.addi %mul3A_0, %arg0 : i32
    %jit3A = arith.constant 4 : i32
    %div3A = arith.divsi %add3A, %jit3A : i32
    %sign3A = arith.constant 0 : i32
    %sign3A_1 = arith.cmpi sgt, %add3A, %sign3A : i32
    %sign3A_2 = arith.extui %sign3A_1 : i1 to i32
    %sign3A_3 = arith.constant 0 : i32
    %sign3A_4 = arith.cmpi slt, %add3A, %sign3A_3 : i32
    %sign3A_5 = arith.extui %sign3A_4 : i1 to i32
    %sign3A_6 = arith.subi %sign3A_2, %sign3A_5 : i32
    %sign3A_7 = arith.constant 0 : i32
    %sign3A_8 = arith.cmpi sgt, %jit3A, %sign3A_7 : i32
    %sign3A_9 = arith.extui %sign3A_8 : i1 to i32
    %sign3A_10 = arith.constant 0 : i32
    %sign3A_11 = arith.cmpi slt, %jit3A, %sign3A_10 : i32
    %sign3A_12 = arith.extui %sign3A_11 : i1 to i32
    %sign3A_13 = arith.subi %sign3A_9, %sign3A_12 : i32
    %ne3A = arith.cmpi ne, %sign3A_6, %sign3A_13 : i32
    %rem3A = arith.remsi %add3A, %jit3A : i32
    %ne3A_14 = arith.constant 0 : i32
    %ne3A_15 = arith.cmpi ne, %rem3A, %ne3A_14 : i32
    %and3A = arith.andi %ne3A, %ne3A_15 : i1
    %sub3A = arith.constant 1 : i32
    %sub3A_16 = arith.subi %div3A, %sub3A : i32
    %select_n3A = arith.select %and3A, %sub3A_16, %div3A : i32
    %jit3A_17 = arith.constant 4 : i32
    %eq3A = arith.constant 0 : i32
    %eq3A_18 = arith.cmpi eq, %jit3A_17, %eq3A : i32
    %jit3A_19 = arith.constant 1 : i32
    %select_n3A_20 = arith.select %eq3A_18, %jit3A_19, %jit3A_17 : i32
    %rem3A_21 = arith.remsi %add3A, %select_n3A_20 : i32
    %ne3A_22 = arith.constant 0 : i32
    %ne3A_23 = arith.cmpi ne, %rem3A_21, %ne3A_22 : i32
    %lt3A = arith.constant 0 : i32
    %lt3A_24 = arith.cmpi slt, %rem3A_21, %lt3A : i32
    %lt3A_25 = arith.constant 0 : i32
    %lt3A_26 = arith.cmpi slt, %select_n3A_20, %lt3A_25 : i32
    %ne3A_27 = arith.xori %lt3A_24, %lt3A_26 : i1
    %and3A_28 = arith.andi %ne3A_27, %ne3A_23 : i1
    %add3A_29 = arith.addi %rem3A_21, %select_n3A_20 : i32
    %select_n3A_30 = arith.select %and3A_28, %add3A_29, %rem3A_21 : i32
    %mul3A_31 = arith.constant 128 : i32
    %mul3A_32 = arith.muli %select_n3A_30, %mul3A_31 : i32
    "tpu.region"() ({
      %run_scoped3A = tpu.sem_alloc : memref<!tpu.dma_semaphore, #tpu.memory_space<semaphore_mem>>
      tpu.enqueue_dma source(%arg3 : memref<1x16xf32, #tpu.memory_space<hbm>>) target(%arg7 : memref<1x16xf32, #tpu.memory_space<vmem>>) target_semaphore(%run_scoped3A : memref<!tpu.dma_semaphore, #tpu.memory_space<semaphore_mem>>)
      tpu.wait_dma2 semaphore(%run_scoped3A : memref<!tpu.dma_semaphore, #tpu.memory_space<semaphore_mem>>) src(%arg3 : memref<1x16xf32, #tpu.memory_space<hbm>>) dst(%arg7 : memref<1x16xf32, #tpu.memory_space<vmem>>)
      tpu.yield
    }) : () -> ()
    %get3A = arith.constant 0 : i32
    %get3A_33 = arith.index_cast %get3A : i32 to index
    %get3A_34 = arith.constant 0 : index
    %get3A_35 = tpu.vector_load %arg7[%get3A_33, %get3A_34] {strides = array<i32>} : memref<1x16xf32, #tpu.memory_space<vmem>>, vector<16xf32>,
    %slice3A = vector.extract_strided_slice %get3A_35 {offsets = [0], sizes = [1], strides = [1]} : vector<16xf32> to vector<1xf32>
    %squeeze3A = vector.extract %slice3A[0] : f32 from vector<1xf32>
    %slice3A_36 = vector.extract_strided_slice %get3A_35 {offsets = [1], sizes = [1], strides = [1]} : vector<16xf32> to vector<1xf32>
    %squeeze3A_37 = vector.extract %slice3A_36[0] : f32 from vector<1xf32>
    %mul3A_38 = arith.mulf %squeeze3A, %squeeze3A_37 : f32
    %add3A_39 = arith.constant 0 : i32
    %add3A_40 = arith.addi %mul3A_32, %add3A_39 : i32
    %dma_start3A = arith.constant 0 : i32
    %dma_start3A_41 = arith.constant 0 : i32
    %dma_start3A_42 = arith.constant 0 : i32
    %dma_start3A_43 = arith.constant 0 : i32
    %dma_start3A_44 = tpu.memref_slice %arg6[%dma_start3A_41, %dma_start3A_42, %dma_start3A_43] : memref<2x16x512xi32, #tpu.memory_space<vmem>> -> memref<1x16x512xi32, #tpu.memory_space<vmem>>
    %dma_start3A_45 = tpu.memref_squeeze %dma_start3A_44 : memref<1x16x512xi32, #tpu.memory_space<vmem>> -> memref<16x512xi32, #tpu.memory_space<vmem>>
    %dma_start3A_46 = arith.constant 0 : i32
    %dma_start3A_47 = tpu.memref_slice %arg2[%select_n3A, %dma_start3A, %add3A_40, %dma_start3A_46] : memref<8x1x512x512xi32, #tpu.memory_space<hbm>> -> memref<1x1x16x512xi32, #tpu.memory_space<hbm>>
    %dma_start3A_48 = tpu.memref_squeeze %dma_start3A_47 : memref<1x1x16x512xi32, #tpu.memory_space<hbm>> -> memref<16x512xi32, #tpu.memory_space<hbm>>
    %dma_start3A_49 = arith.constant 0 : i32
    %dma_start3A_50 = arith.constant 0 : i32
    %dma_start3A_51 = tpu.memref_slice %arg6[%dma_start3A_41, %dma_start3A_49, %dma_start3A_50] : memref<2x16x512xi32, #tpu.memory_space<vmem>> -> memref<1x16x512xi32, #tpu.memory_space<vmem>>
    %dma_start3A_52 = tpu.memref_squeeze %dma_start3A_51 : memref<1x16x512xi32, #tpu.memory_space<vmem>> -> memref<16x512xi32, #tpu.memory_space<vmem>>
    %dma_start3A_53 = arith.constant 0 : i32
    %dma_start3A_54 = tpu.memref_slice %arg2[%select_n3A, %dma_start3A, %add3A_40, %dma_start3A_53] : memref<8x1x512x512xi32, #tpu.memory_space<hbm>> -> memref<1x1x16x512xi32, #tpu.memory_space<hbm>>
    %dma_start3A_55 = tpu.memref_squeeze %dma_start3A_54 : memref<1x1x16x512xi32, #tpu.memory_space<hbm>> -> memref<16x512xi32, #tpu.memory_space<hbm>>
    tpu.enqueue_dma source(%dma_start3A_55 : memref<16x512xi32, #tpu.memory_space<hbm>>) target(%dma_start3A_52 : memref<16x512xi32, #tpu.memory_space<vmem>>) target_semaphore(%arg8 : memref<!tpu.dma_semaphore, #tpu.memory_space<semaphore_mem>>)
    %broadcast_in_dim3A = arith.constant 0.000000e+00 : f32
    %broadcast_in_dim3A_56 = vector.broadcast %broadcast_in_dim3A : f32 to vector<16xf32>
    %scan3A = arith.constant 0 : i32
    %scan3A_57 = arith.constant 0 : i32
    %scan3A_58 = arith.constant 128 : i32
    %scan3A_59 = arith.addi %scan3A_57, %scan3A_58 : i32
    %scan3A_60 = arith.constant 1 : i32
    scf.for %scan3A_70 = %scan3A_57 to %scan3A_59 step %scan3A_60  : i32 {
      %mul3A_71 = arith.constant 8 : i32
      %mul3A_72 = arith.muli %scan3A_70, %mul3A_71 : i32
      %add3A_73 = arith.constant 0 : i32
      %add3A_74 = arith.addi %mul3A_72, %add3A_73 : i32
      %mul3A_75 = arith.constant 16 : i32
      %mul3A_76 = arith.muli %add3A_74, %mul3A_75 : i32
      %swap3A = arith.index_cast %mul3A_76 : i32 to index
      %swap3A_77 = tpu.vector_load %arg5[%swap3A] {strides = array<i32>} : memref<16384xf32, #tpu.memory_space<vmem>>, vector<16xf32>,
      tpu.vector_store %arg5[%swap3A], %broadcast_in_dim3A_56 {strides = array<i32>} : memref<16384xf32, #tpu.memory_space<vmem>>, vector<16xf32>,
      %mul3A_78 = arith.constant 8 : i32
      %mul3A_79 = arith.muli %scan3A_70, %mul3A_78 : i32
      %add3A_80 = arith.constant 1 : i32
      %add3A_81 = arith.addi %mul3A_79, %add3A_80 : i32
      %mul3A_82 = arith.constant 16 : i32
      %mul3A_83 = arith.muli %add3A_81, %mul3A_82 : i32
      %swap3A_84 = arith.index_cast %mul3A_83 : i32 to index
      %swap3A_85 = tpu.vector_load %arg5[%swap3A_84] {strides = array<i32>} : memref<16384xf32, #tpu.memory_space<vmem>>, vector<16xf32>,
      tpu.vector_store %arg5[%swap3A_84], %broadcast_in_dim3A_56 {strides = array<i32>} : memref<16384xf32, #tpu.memory_space<vmem>>, vector<16xf32>,
      %mul3A_86 = arith.constant 8 : i32
      %mul3A_87 = arith.muli %scan3A_70, %mul3A_86 : i32
      %add3A_88 = arith.constant 2 : i32
      %add3A_89 = arith.addi %mul3A_87, %add3A_88 : i32
      %mul3A_90 = arith.constant 16 : i32
      %mul3A_91 = arith.muli %add3A_89, %mul3A_90 : i32
      %swap3A_92 = arith.index_cast %mul3A_91 : i32 to index
      %swap3A_93 = tpu.vector_load %arg5[%swap3A_92] {strides = array<i32>} : memref<16384xf32, #tpu.memory_space<vmem>>, vector<16xf32>,
      tpu.vector_store %arg5[%swap3A_92], %broadcast_in_dim3A_56 {strides = array<i32>} : memref<16384xf32, #tpu.memory_space<vmem>>, vector<16xf32>,
      %mul3A_94 = arith.constant 8 : i32
      %mul3A_95 = arith.muli %scan3A_70, %mul3A_94 : i32
      %add3A_96 = arith.constant 3 : i32
      %add3A_97 = arith.addi %mul3A_95, %add3A_96 : i32
      %mul3A_98 = arith.constant 16 : i32
      %mul3A_99 = arith.muli %add3A_97, %mul3A_98 : i32
      %swap3A_100 = arith.index_cast %mul3A_99 : i32 to index
      %swap3A_101 = tpu.vector_load %arg5[%swap3A_100] {strides = array<i32>} : memref<16384xf32, #tpu.memory_space<vmem>>, vector<16xf32>,
      tpu.vector_store %arg5[%swap3A_100], %broadcast_in_dim3A_56 {strides = array<i32>} : memref<16384xf32, #tpu.memory_space<vmem>>, vector<16xf32>,
      %mul3A_102 = arith.constant 8 : i32
      %mul3A_103 = arith.muli %scan3A_70, %mul3A_102 : i32
      %add3A_104 = arith.constant 4 : i32
      %add3A_105 = arith.addi %mul3A_103, %add3A_104 : i32
      %mul3A_106 = arith.constant 16 : i32
      %mul3A_107 = arith.muli %add3A_105, %mul3A_106 : i32
      %swap3A_108 = arith.index_cast %mul3A_107 : i32 to index
      %swap3A_109 = tpu.vector_load %arg5[%swap3A_108] {strides = array<i32>} : memref<16384xf32, #tpu.memory_space<vmem>>, vector<16xf32>,
      tpu.vector_store %arg5[%swap3A_108], %broadcast_in_dim3A_56 {strides = array<i32>} : memref<16384xf32, #tpu.memory_space<vmem>>, vector<16xf32>,
      %mul3A_110 = arith.constant 8 : i32
      %mul3A_111 = arith.muli %scan3A_70, %mul3A_110 : i32
      %add3A_112 = arith.constant 5 : i32
      %add3A_113 = arith.addi %mul3A_111, %add3A_112 : i32
      %mul3A_114 = arith.constant 16 : i32
      %mul3A_115 = arith.muli %add3A_113, %mul3A_114 : i32
      %swap3A_116 = arith.index_cast %mul3A_115 : i32 to index
      %swap3A_117 = tpu.vector_load %arg5[%swap3A_116] {strides = array<i32>} : memref<16384xf32, #tpu.memory_space<vmem>>, vector<16xf32>,
      tpu.vector_store %arg5[%swap3A_116], %broadcast_in_dim3A_56 {strides = array<i32>} : memref<16384xf32, #tpu.memory_space<vmem>>, vector<16xf32>,
      %mul3A_118 = arith.constant 8 : i32
      %mul3A_119 = arith.muli %scan3A_70, %mul3A_118 : i32
      %add3A_120 = arith.constant 6 : i32
      %add3A_121 = arith.addi %mul3A_119, %add3A_120 : i32
      %mul3A_122 = arith.constant 16 : i32
      %mul3A_123 = arith.muli %add3A_121, %mul3A_122 : i32
      %swap3A_124 = arith.index_cast %mul3A_123 : i32 to index
      %swap3A_125 = tpu.vector_load %arg5[%swap3A_124] {strides = array<i32>} : memref<16384xf32, #tpu.memory_space<vmem>>, vector<16xf32>,
      tpu.vector_store %arg5[%swap3A_124], %broadcast_in_dim3A_56 {strides = array<i32>} : memref<16384xf32, #tpu.memory_space<vmem>>, vector<16xf32>,
      %mul3A_126 = arith.constant 8 : i32
      %mul3A_127 = arith.muli %scan3A_70, %mul3A_126 : i32
      %add3A_128 = arith.constant 7 : i32
      %add3A_129 = arith.addi %mul3A_127, %add3A_128 : i32
      %mul3A_130 = arith.constant 16 : i32
      %mul3A_131 = arith.muli %add3A_129, %mul3A_130 : i32
      %swap3A_132 = arith.index_cast %mul3A_131 : i32 to index
      %swap3A_133 = tpu.vector_load %arg5[%swap3A_132] {strides = array<i32>} : memref<16384xf32, #tpu.memory_space<vmem>>, vector<16xf32>,
      tpu.vector_store %arg5[%swap3A_132], %broadcast_in_dim3A_56 {strides = array<i32>} : memref<16384xf32, #tpu.memory_space<vmem>>, vector<16xf32>,
    }
    %scan3A_61 = arith.constant 128 : i32
    %broadcast_in_dim3A_62 = arith.constant 1.000000e+00 : f32
    %broadcast_in_dim3A_63 = vector.broadcast %broadcast_in_dim3A_62 : f32 to vector<16xf32>
    %scan3A_64 = arith.constant 0 : i32
    %scan3A_65 = arith.constant 0 : i32
    %scan3A_66 = arith.constant 4 : i32
    %scan3A_67 = arith.addi %scan3A_65, %scan3A_66 : i32
    %scan3A_68 = arith.constant 1 : i32
    scf.for %scan3A_70 = %scan3A_65 to %scan3A_67 step %scan3A_68  : i32 {
      %mul3A_71 = arith.constant 2 : i32
      %mul3A_72 = arith.muli %scan3A_70, %mul3A_71 : i32
      %add3A_73 = arith.constant 1 : i32
      %add3A_74 = arith.addi %mul3A_72, %add3A_73 : i32
      %mul3A_75 = arith.constant 16 : i32
      %mul3A_76 = arith.muli %add3A_74, %mul3A_75 : i32
      %add3A_77 = arith.addi %mul3A_32, %mul3A_76 : i32
      %dma_start3A_78 = arith.constant 0 : i32
      %dma_start3A_79 = arith.constant 1 : i32
      %dma_start3A_80 = arith.constant 0 : i32
      %dma_start3A_81 = arith.constant 0 : i32
      %dma_start3A_82 = tpu.memref_slice %arg6[%dma_start3A_79, %dma_start3A_80, %dma_start3A_81] : memref<2x16x512xi32, #tpu.memory_space<vmem>> -> memref<1x16x512xi32, #tpu.memory_space<vmem>>
      %dma_start3A_83 = tpu.memref_squeeze %dma_start3A_82 : memref<1x16x512xi32, #tpu.memory_space<vmem>> -> memref<16x512xi32, #tpu.memory_space<vmem>>
      %dma_start3A_84 = arith.constant 0 : i32
      %dma_start3A_85 = tpu.memref_slice %arg2[%select_n3A, %dma_start3A_78, %add3A_77, %dma_start3A_84] : memref<8x1x512x512xi32, #tpu.memory_space<hbm>> -> memref<1x1x16x512xi32, #tpu.memory_space<hbm>>
      %dma_start3A_86 = tpu.memref_squeeze %dma_start3A_85 : memref<1x1x16x512xi32, #tpu.memory_space<hbm>> -> memref<16x512xi32, #tpu.memory_space<hbm>>
      %dma_start3A_87 = arith.constant 0 : i32
      %dma_start3A_88 = arith.constant 0 : i32
      %dma_start3A_89 = tpu.memref_slice %arg6[%dma_start3A_79, %dma_start3A_87, %dma_start3A_88] : memref<2x16x512xi32, #tpu.memory_space<vmem>> -> memref<1x16x512xi32, #tpu.memory_space<vmem>>
      %dma_start3A_90 = tpu.memref_squeeze %dma_start3A_89 : memref<1x16x512xi32, #tpu.memory_space<vmem>> -> memref<16x512xi32, #tpu.memory_space<vmem>>
      %dma_start3A_91 = arith.constant 0 : i32
      %dma_start3A_92 = tpu.memref_slice %arg2[%select_n3A, %dma_start3A_78, %add3A_77, %dma_start3A_91] : memref<8x1x512x512xi32, #tpu.memory_space<hbm>> -> memref<1x1x16x512xi32, #tpu.memory_space<hbm>>
      %dma_start3A_93 = tpu.memref_squeeze %dma_start3A_92 : memref<1x1x16x512xi32, #tpu.memory_space<hbm>> -> memref<16x512xi32, #tpu.memory_space<hbm>>
      tpu.enqueue_dma source(%dma_start3A_93 : memref<16x512xi32, #tpu.memory_space<hbm>>) target(%dma_start3A_90 : memref<16x512xi32, #tpu.memory_space<vmem>>) target_semaphore(%arg9 : memref<!tpu.dma_semaphore, #tpu.memory_space<semaphore_mem>>)
      %add3A_94 = arith.constant 0 : i32
      %add3A_95 = arith.addi %mul3A_32, %add3A_94 : i32
      %dma_wait3A = arith.constant 0 : i32
      %dma_wait3A_96 = arith.constant 0 : i32
      %dma_wait3A_97 = arith.constant 0 : i32
      %dma_wait3A_98 = arith.constant 0 : i32
      %dma_wait3A_99 = tpu.memref_slice %arg6[%dma_wait3A_96, %dma_wait3A_97, %dma_wait3A_98] : memref<2x16x512xi32, #tpu.memory_space<vmem>> -> memref<1x16x512xi32, #tpu.memory_space<vmem>>
      %dma_wait3A_100 = tpu.memref_squeeze %dma_wait3A_99 : memref<1x16x512xi32, #tpu.memory_space<vmem>> -> memref<16x512xi32, #tpu.memory_space<vmem>>
      %dma_wait3A_101 = arith.constant 0 : i32
      %dma_wait3A_102 = tpu.memref_slice %arg2[%select_n3A, %dma_wait3A, %add3A_95, %dma_wait3A_101] : memref<8x1x512x512xi32, #tpu.memory_space<hbm>> -> memref<1x1x16x512xi32, #tpu.memory_space<hbm>>
      %dma_wait3A_103 = tpu.memref_squeeze %dma_wait3A_102 : memref<1x1x16x512xi32, #tpu.memory_space<hbm>> -> memref<16x512xi32, #tpu.memory_space<hbm>>
      %dma_wait3A_104 = arith.constant 0 : i32
      %dma_wait3A_105 = arith.constant 0 : i32
      %dma_wait3A_106 = tpu.memref_slice %arg6[%dma_wait3A_96, %dma_wait3A_104, %dma_wait3A_105] : memref<2x16x512xi32, #tpu.memory_space<vmem>> -> memref<1x16x512xi32, #tpu.memory_space<vmem>>
      %dma_wait3A_107 = tpu.memref_squeeze %dma_wait3A_106 : memref<1x16x512xi32, #tpu.memory_space<vmem>> -> memref<16x512xi32, #tpu.memory_space<vmem>>
      %dma_wait3A_108 = arith.constant 0 : i32
      %dma_wait3A_109 = tpu.memref_slice %arg2[%select_n3A, %dma_wait3A, %add3A_95, %dma_wait3A_108] : memref<8x1x512x512xi32, #tpu.memory_space<hbm>> -> memref<1x1x16x512xi32, #tpu.memory_space<hbm>>
      %dma_wait3A_110 = tpu.memref_squeeze %dma_wait3A_109 : memref<1x1x16x512xi32, #tpu.memory_space<hbm>> -> memref<16x512xi32, #tpu.memory_space<hbm>>
      tpu.wait_dma2 semaphore(%arg8 : memref<!tpu.dma_semaphore, #tpu.memory_space<semaphore_mem>>) src(%dma_wait3A_110 : memref<16x512xi32, #tpu.memory_space<hbm>>) dst(%dma_wait3A_107 : memref<16x512xi32, #tpu.memory_space<vmem>>)
      %parallel_loop3A = arith.constant 0 : i32
      %parallel_loop3A_111 = arith.constant 512 : i32
      %parallel_loop3A_112 = arith.constant 1 : i32
      scf.for %parallel_loop3A_137 = %parallel_loop3A to %parallel_loop3A_111 step %parallel_loop3A_112  : i32 {
        %parallel_loop3A_138 = arith.constant 5 : i32
        %parallel_loop3A_139 = arith.shrui %parallel_loop3A_137, %parallel_loop3A_138 : i32
        %parallel_loop3A_140 = arith.constant 31 : i32
        %parallel_loop3A_141 = arith.andi %parallel_loop3A_137, %parallel_loop3A_140 : i32
        %parallel_loop3A_142 = arith.constant 16 : i32
        %parallel_loop3A_143 = arith.muli %parallel_loop3A_141, %parallel_loop3A_142 : i32
        %parallel_loop3A_144 = arith.constant 0 : i32
        %parallel_loop3A_145 = arith.index_cast %parallel_loop3A_144 : i32 to index
        %parallel_loop3A_146 = arith.index_cast %parallel_loop3A_139 : i32 to index
        %parallel_loop3A_147 = arith.index_cast %parallel_loop3A_143 : i32 to index
        %parallel_loop3A_148 = tpu.vector_load %arg6[%parallel_loop3A_145, %parallel_loop3A_146, %parallel_loop3A_147] {strides = array<i32>} : memref<2x16x512xi32, #tpu.memory_space<vmem>>, vector<16xi32>,
        %parallel_loop3A_149 = arith.constant 1 : i32
        %parallel_loop3A_150 = vector.broadcast %parallel_loop3A_149 : i32 to vector<16xi32>
        %parallel_loop3A_151 = arith.andi %parallel_loop3A_148, %parallel_loop3A_150 : vector<16xi32>
        %parallel_loop3A_152 = tpu.bitcast %parallel_loop3A_148 : vector<16xi32> -> vector<16xf32>
        %parallel_loop3A_153 = arith.constant 0.000000e+00 : f32
        %parallel_loop3A_154 = vector.broadcast %parallel_loop3A_153 : f32 to vector<16xf32>
        %parallel_loop3A_155 = arith.cmpf ogt, %parallel_loop3A_152, %parallel_loop3A_154 : vector<16xf32>
        %parallel_loop3A_156 = arith.constant 1.000000e+00 : f32
        %parallel_loop3A_157 = vector.broadcast %parallel_loop3A_156 : f32 to vector<16xf32>
        %parallel_loop3A_158 = arith.addf %parallel_loop3A_152, %parallel_loop3A_157 : vector<16xf32>
        %parallel_loop3A_159 = math.exp %parallel_loop3A_152 : vector<16xf32>
        %parallel_loop3A_160 = arith.select %parallel_loop3A_155, %parallel_loop3A_158, %parallel_loop3A_159 : vector<16xi1>, vector<16xf32>
        %parallel_loop3A_161 = vector.broadcast %squeeze3A_37 : f32 to vector<16xf32>
        %parallel_loop3A_162 = arith.mulf %parallel_loop3A_152, %parallel_loop3A_161 : vector<16xf32>
        %parallel_loop3A_163 = vector.broadcast %mul3A_38 : f32 to vector<16xf32>
        %parallel_loop3A_164 = arith.subf %parallel_loop3A_162, %parallel_loop3A_163 : vector<16xf32>
        %parallel_loop3A_165 = arith.fptosi %parallel_loop3A_164 : vector<16xf32> to vector<16xi32>
        %parallel_loop3A_166 = arith.constant 4095 : i32
        %parallel_loop3A_167 = vector.broadcast %parallel_loop3A_166 : i32 to vector<16xi32>
        %parallel_loop3A_168 = arith.minsi %parallel_loop3A_165, %parallel_loop3A_167 : vector<16xi32>
        %parallel_loop3A_169 = arith.constant 4096 : i32
        %parallel_loop3A_170 = vector.broadcast %parallel_loop3A_169 : i32 to vector<16xi32>
        %parallel_loop3A_171 = arith.muli %parallel_loop3A_151, %parallel_loop3A_170 : vector<16xi32>
        %parallel_loop3A_172 = arith.addi %parallel_loop3A_168, %parallel_loop3A_171 : vector<16xi32>
        tpu.vector_store_idx %arg5[%parallel_loop3A_172], %broadcast_in_dim3A_63 {add = true} : memref<16384xf32, #tpu.memory_space<vmem>>[vector<16xi32>], vector<16xf32>,
        %parallel_loop3A_173 = arith.constant 8192 : i32
        %parallel_loop3A_174 = vector.broadcast %parallel_loop3A_173 : i32 to vector<16xi32>
        %parallel_loop3A_175 = arith.addi %parallel_loop3A_172, %parallel_loop3A_174 : vector<16xi32>
        tpu.vector_store_idx %arg5[%parallel_loop3A_175], %parallel_loop3A_160 {add = true} : memref<16384xf32, #tpu.memory_space<vmem>>[vector<16xi32>], vector<16xf32>,
      } {sc.loop_unroll_factor = 8 : i64, sc.parallel_access}
      %lt3A_113 = arith.constant 3 : i32
      %lt3A_114 = arith.cmpi slt, %scan3A_70, %lt3A_113 : i32
      %convert_element_type3A = arith.extui %lt3A_114 : i1 to i32
      %cond3A = arith.constant 0 : i32
      %cond3A_115 = arith.cmpi ne, %convert_element_type3A, %cond3A : i32
      scf.if %cond3A_115 {
        %add3A_137 = arith.constant 2 : i32
        %add3A_138 = arith.addi %mul3A_72, %add3A_137 : i32
        %mul3A_139 = arith.constant 16 : i32
        %mul3A_140 = arith.muli %add3A_138, %mul3A_139 : i32
        %add3A_141 = arith.addi %mul3A_32, %mul3A_140 : i32
        %dma_start3A_142 = arith.constant 0 : i32
        %dma_start3A_143 = arith.constant 0 : i32
        %dma_start3A_144 = arith.constant 0 : i32
        %dma_start3A_145 = arith.constant 0 : i32
        %dma_start3A_146 = tpu.memref_slice %arg6[%dma_start3A_143, %dma_start3A_144, %dma_start3A_145] : memref<2x16x512xi32, #tpu.memory_space<vmem>> -> memref<1x16x512xi32, #tpu.memory_space<vmem>>
        %dma_start3A_147 = tpu.memref_squeeze %dma_start3A_146 : memref<1x16x512xi32, #tpu.memory_space<vmem>> -> memref<16x512xi32, #tpu.memory_space<vmem>>
        %dma_start3A_148 = arith.constant 0 : i32
        %dma_start3A_149 = tpu.memref_slice %arg2[%select_n3A, %dma_start3A_142, %add3A_141, %dma_start3A_148] : memref<8x1x512x512xi32, #tpu.memory_space<hbm>> -> memref<1x1x16x512xi32, #tpu.memory_space<hbm>>
        %dma_start3A_150 = tpu.memref_squeeze %dma_start3A_149 : memref<1x1x16x512xi32, #tpu.memory_space<hbm>> -> memref<16x512xi32, #tpu.memory_space<hbm>>
        %dma_start3A_151 = arith.constant 0 : i32
        %dma_start3A_152 = arith.constant 0 : i32
        %dma_start3A_153 = tpu.memref_slice %arg6[%dma_start3A_143, %dma_start3A_151, %dma_start3A_152] : memref<2x16x512xi32, #tpu.memory_space<vmem>> -> memref<1x16x512xi32, #tpu.memory_space<vmem>>
        %dma_start3A_154 = tpu.memref_squeeze %dma_start3A_153 : memref<1x16x512xi32, #tpu.memory_space<vmem>> -> memref<16x512xi32, #tpu.memory_space<vmem>>
        %dma_start3A_155 = arith.constant 0 : i32
        %dma_start3A_156 = tpu.memref_slice %arg2[%select_n3A, %dma_start3A_142, %add3A_141, %dma_start3A_155] : memref<8x1x512x512xi32, #tpu.memory_space<hbm>> -> memref<1x1x16x512xi32, #tpu.memory_space<hbm>>
        %dma_start3A_157 = tpu.memref_squeeze %dma_start3A_156 : memref<1x1x16x512xi32, #tpu.memory_space<hbm>> -> memref<16x512xi32, #tpu.memory_space<hbm>>
        tpu.enqueue_dma source(%dma_start3A_157 : memref<16x512xi32, #tpu.memory_space<hbm>>) target(%dma_start3A_154 : memref<16x512xi32, #tpu.memory_space<vmem>>) target_semaphore(%arg8 : memref<!tpu.dma_semaphore, #tpu.memory_space<semaphore_mem>>)
      } else {
      }
      %add3A_116 = arith.constant 0 : i32
      %add3A_117 = arith.addi %mul3A_32, %add3A_116 : i32
      %dma_wait3A_118 = arith.constant 0 : i32
      %dma_wait3A_119 = arith.constant 1 : i32
      %dma_wait3A_120 = arith.constant 0 : i32
      %dma_wait3A_121 = arith.constant 0 : i32
      %dma_wait3A_122 = tpu.memref_slice %arg6[%dma_wait3A_119, %dma_wait3A_120, %dma_wait3A_121] : memref<2x16x512xi32, #tpu.memory_space<vmem>> -> memref<1x16x512xi32, #tpu.memory_space<vmem>>
      %dma_wait3A_123 = tpu.memref_squeeze %dma_wait3A_122 : memref<1x16x512xi32, #tpu.memory_space<vmem>> -> memref<16x512xi32, #tpu.memory_space<vmem>>
      %dma_wait3A_124 = arith.constant 0 : i32
      %dma_wait3A_125 = tpu.memref_slice %arg2[%select_n3A, %dma_wait3A_118, %add3A_117, %dma_wait3A_124] : memref<8x1x512x512xi32, #tpu.memory_space<hbm>> -> memref<1x1x16x512xi32, #tpu.memory_space<hbm>>
      %dma_wait3A_126 = tpu.memref_squeeze %dma_wait3A_125 : memref<1x1x16x512xi32, #tpu.memory_space<hbm>> -> memref<16x512xi32, #tpu.memory_space<hbm>>
      %dma_wait3A_127 = arith.constant 0 : i32
      %dma_wait3A_128 = arith.constant 0 : i32
      %dma_wait3A_129 = tpu.memref_slice %arg6[%dma_wait3A_119, %dma_wait3A_127, %dma_wait3A_128] : memref<2x16x512xi32, #tpu.memory_space<vmem>> -> memref<1x16x512xi32, #tpu.memory_space<vmem>>
      %dma_wait3A_130 = tpu.memref_squeeze %dma_wait3A_129 : memref<1x16x512xi32, #tpu.memory_space<vmem>> -> memref<16x512xi32, #tpu.memory_space<vmem>>
      %dma_wait3A_131 = arith.constant 0 : i32
      %dma_wait3A_132 = tpu.memref_slice %arg2[%select_n3A, %dma_wait3A_118, %add3A_117, %dma_wait3A_131] : memref<8x1x512x512xi32, #tpu.memory_space<hbm>> -> memref<1x1x16x512xi32, #tpu.memory_space<hbm>>
      %dma_wait3A_133 = tpu.memref_squeeze %dma_wait3A_132 : memref<1x1x16x512xi32, #tpu.memory_space<hbm>> -> memref<16x512xi32, #tpu.memory_space<hbm>>
      tpu.wait_dma2 semaphore(%arg9 : memref<!tpu.dma_semaphore, #tpu.memory_space<semaphore_mem>>) src(%dma_wait3A_133 : memref<16x512xi32, #tpu.memory_space<hbm>>) dst(%dma_wait3A_130 : memref<16x512xi32, #tpu.memory_space<vmem>>)
      %parallel_loop3A_134 = arith.constant 0 : i32
      %parallel_loop3A_135 = arith.constant 512 : i32
      %parallel_loop3A_136 = arith.constant 1 : i32
      scf.for %parallel_loop3A_137 = %parallel_loop3A_134 to %parallel_loop3A_135 step %parallel_loop3A_136  : i32 {
        %parallel_loop3A_138 = arith.constant 5 : i32
        %parallel_loop3A_139 = arith.shrui %parallel_loop3A_137, %parallel_loop3A_138 : i32
        %parallel_loop3A_140 = arith.constant 31 : i32
        %parallel_loop3A_141 = arith.andi %parallel_loop3A_137, %parallel_loop3A_140 : i32
        %parallel_loop3A_142 = arith.constant 16 : i32
        %parallel_loop3A_143 = arith.muli %parallel_loop3A_141, %parallel_loop3A_142 : i32
        %parallel_loop3A_144 = arith.constant 1 : i32
        %parallel_loop3A_145 = arith.index_cast %parallel_loop3A_144 : i32 to index
        %parallel_loop3A_146 = arith.index_cast %parallel_loop3A_139 : i32 to index
        %parallel_loop3A_147 = arith.index_cast %parallel_loop3A_143 : i32 to index
        %parallel_loop3A_148 = tpu.vector_load %arg6[%parallel_loop3A_145, %parallel_loop3A_146, %parallel_loop3A_147] {strides = array<i32>} : memref<2x16x512xi32, #tpu.memory_space<vmem>>, vector<16xi32>,
        %parallel_loop3A_149 = arith.constant 1 : i32
        %parallel_loop3A_150 = vector.broadcast %parallel_loop3A_149 : i32 to vector<16xi32>
        %parallel_loop3A_151 = arith.andi %parallel_loop3A_148, %parallel_loop3A_150 : vector<16xi32>
        %parallel_loop3A_152 = tpu.bitcast %parallel_loop3A_148 : vector<16xi32> -> vector<16xf32>
        %parallel_loop3A_153 = arith.constant 0.000000e+00 : f32
        %parallel_loop3A_154 = vector.broadcast %parallel_loop3A_153 : f32 to vector<16xf32>
        %parallel_loop3A_155 = arith.cmpf ogt, %parallel_loop3A_152, %parallel_loop3A_154 : vector<16xf32>
        %parallel_loop3A_156 = arith.constant 1.000000e+00 : f32
        %parallel_loop3A_157 = vector.broadcast %parallel_loop3A_156 : f32 to vector<16xf32>
        %parallel_loop3A_158 = arith.addf %parallel_loop3A_152, %parallel_loop3A_157 : vector<16xf32>
        %parallel_loop3A_159 = math.exp %parallel_loop3A_152 : vector<16xf32>
        %parallel_loop3A_160 = arith.select %parallel_loop3A_155, %parallel_loop3A_158, %parallel_loop3A_159 : vector<16xi1>, vector<16xf32>
        %parallel_loop3A_161 = vector.broadcast %squeeze3A_37 : f32 to vector<16xf32>
        %parallel_loop3A_162 = arith.mulf %parallel_loop3A_152, %parallel_loop3A_161 : vector<16xf32>
        %parallel_loop3A_163 = vector.broadcast %mul3A_38 : f32 to vector<16xf32>
        %parallel_loop3A_164 = arith.subf %parallel_loop3A_162, %parallel_loop3A_163 : vector<16xf32>
        %parallel_loop3A_165 = arith.fptosi %parallel_loop3A_164 : vector<16xf32> to vector<16xi32>
        %parallel_loop3A_166 = arith.constant 4095 : i32
        %parallel_loop3A_167 = vector.broadcast %parallel_loop3A_166 : i32 to vector<16xi32>
        %parallel_loop3A_168 = arith.minsi %parallel_loop3A_165, %parallel_loop3A_167 : vector<16xi32>
        %parallel_loop3A_169 = arith.constant 4096 : i32
        %parallel_loop3A_170 = vector.broadcast %parallel_loop3A_169 : i32 to vector<16xi32>
        %parallel_loop3A_171 = arith.muli %parallel_loop3A_151, %parallel_loop3A_170 : vector<16xi32>
        %parallel_loop3A_172 = arith.addi %parallel_loop3A_168, %parallel_loop3A_171 : vector<16xi32>
        tpu.vector_store_idx %arg5[%parallel_loop3A_172], %broadcast_in_dim3A_63 {add = true} : memref<16384xf32, #tpu.memory_space<vmem>>[vector<16xi32>], vector<16xf32>,
        %parallel_loop3A_173 = arith.constant 8192 : i32
        %parallel_loop3A_174 = vector.broadcast %parallel_loop3A_173 : i32 to vector<16xi32>
        %parallel_loop3A_175 = arith.addi %parallel_loop3A_172, %parallel_loop3A_174 : vector<16xi32>
        tpu.vector_store_idx %arg5[%parallel_loop3A_175], %parallel_loop3A_160 {add = true} : memref<16384xf32, #tpu.memory_space<vmem>>[vector<16xi32>], vector<16xf32>,
      } {sc.loop_unroll_factor = 8 : i64, sc.parallel_access}
    }
    %scan3A_69 = arith.constant 4 : i32
    "tpu.region"() ({
      %run_scoped3A = tpu.sem_alloc : memref<!tpu.dma_semaphore, #tpu.memory_space<semaphore_mem>>
      %dma_start3A_70 = arith.constant 0 : i32
      %dma_start3A_71 = tpu.memref_slice %arg4[%add3A, %dma_start3A_70] : memref<32x16384xf32, #tpu.memory_space<hbm>> -> memref<1x16384xf32, #tpu.memory_space<hbm>>
      %dma_start3A_72 = tpu.memref_squeeze %dma_start3A_71 : memref<1x16384xf32, #tpu.memory_space<hbm>> -> memref<16384xf32, #tpu.memory_space<hbm>>
      %dma_start3A_73 = arith.constant 0 : i32
      %dma_start3A_74 = tpu.memref_slice %arg4[%add3A, %dma_start3A_73] : memref<32x16384xf32, #tpu.memory_space<hbm>> -> memref<1x16384xf32, #tpu.memory_space<hbm>>
      %dma_start3A_75 = tpu.memref_squeeze %dma_start3A_74 : memref<1x16384xf32, #tpu.memory_space<hbm>> -> memref<16384xf32, #tpu.memory_space<hbm>>
      tpu.enqueue_dma source(%arg5 : memref<16384xf32, #tpu.memory_space<vmem>>) target(%dma_start3A_75 : memref<16384xf32, #tpu.memory_space<hbm>>) target_semaphore(%run_scoped3A : memref<!tpu.dma_semaphore, #tpu.memory_space<semaphore_mem>>)
      %dma_wait3A = arith.constant 0 : i32
      %dma_wait3A_76 = tpu.memref_slice %arg4[%add3A, %dma_wait3A] : memref<32x16384xf32, #tpu.memory_space<hbm>> -> memref<1x16384xf32, #tpu.memory_space<hbm>>
      %dma_wait3A_77 = tpu.memref_squeeze %dma_wait3A_76 : memref<1x16384xf32, #tpu.memory_space<hbm>> -> memref<16384xf32, #tpu.memory_space<hbm>>
      %dma_wait3A_78 = arith.constant 0 : i32
      %dma_wait3A_79 = tpu.memref_slice %arg4[%add3A, %dma_wait3A_78] : memref<32x16384xf32, #tpu.memory_space<hbm>> -> memref<1x16384xf32, #tpu.memory_space<hbm>>
      %dma_wait3A_80 = tpu.memref_squeeze %dma_wait3A_79 : memref<1x16384xf32, #tpu.memory_space<hbm>> -> memref<16384xf32, #tpu.memory_space<hbm>>
      tpu.wait_dma2 semaphore(%run_scoped3A : memref<!tpu.dma_semaphore, #tpu.memory_space<semaphore_mem>>) src(%arg5 : memref<16384xf32, #tpu.memory_space<vmem>>) dst(%dma_wait3A_80 : memref<16384xf32, #tpu.memory_space<hbm>>)
      tpu.yield
    }) : () -> ()
    return
  }
}

module attributes {stable_mosaic.version = 14 : i64} {
  func.func @_prep_body(%arg0: i32, %arg1: memref<1x1x512x512xf32, #tpu.memory_space<vmem>>, %arg2: memref<1x1x512x512xi32, #tpu.memory_space<vmem>>, %arg3: memref<1x1x512x512xi32, #tpu.memory_space<vmem>>, %arg4: memref<1x16xf32, #tpu.memory_space<vmem>>, %arg5: memref<1x1xf32, #tpu.memory_space<vmem>>, %arg6: memref<1x1xf32, #tpu.memory_space<vmem>>) attributes {dimension_semantics = [#tpu.dimension_semantics<arbitrary>], iteration_bounds = array<i64: 8>, scalar_prefetch = 0 : i64, scratch_operands = 2 : i64, tpu.core_type = #tpu.core_type<tc>, window_params = [{transform_indices = @transform_0, window_bounds = array<i64: 1, 1, 512, 512>}, {transform_indices = @transform_1, window_bounds = array<i64: 1, 1, 512, 512>}, {transform_indices = @transform_2, window_bounds = array<i64: 1, 1, 512, 512>}, {pipeline_mode = #tpu.pipeline_mode<synchronous>, transform_indices = @transform_3, window_bounds = array<i64: 1, 16>}]} {
    %get3A = arith.constant 0 : index
    %get3A_0 = arith.constant 0 : index
    %get3A_1 = arith.constant 0 : index
    %get3A_2 = arith.constant 0 : index
    %get3A_3 = vector.load %arg1[%get3A, %get3A_0, %get3A_1, %get3A_2] : memref<1x1x512x512xf32, #tpu.memory_space<vmem>>, vector<1x1x512x512xf32>
    %get3A_4 = arith.constant 0 : index
    %get3A_5 = arith.constant 0 : index
    %get3A_6 = arith.constant 0 : index
    %get3A_7 = arith.constant 0 : index
    %get3A_8 = vector.load %arg2[%get3A_4, %get3A_5, %get3A_6, %get3A_7] : memref<1x1x512x512xi32, #tpu.memory_space<vmem>>, vector<1x1x512x512xi32>
    %convert_element_type3A = arith.sitofp %get3A_8 : vector<1x1x512x512xi32> to vector<1x1x512x512xf32>
    %mul3A = arith.constant 2.000000e+00 : f32
    %mul3A_9 = vector.broadcast %mul3A : f32 to vector<1x1x512x512xf32>
    %mul3A_10 = arith.mulf %mul3A_9, %convert_element_type3A : vector<1x1x512x512xf32>
    %sub3A = arith.constant 1.000000e+00 : f32
    %sub3A_11 = vector.broadcast %sub3A : f32 to vector<1x1x512x512xf32>
    %sub3A_12 = arith.subf %mul3A_10, %sub3A_11 : vector<1x1x512x512xf32>
    %mul3A_13 = arith.mulf %get3A_3, %sub3A_12 : vector<1x1x512x512xf32>
    %sub3A_14 = arith.constant 1.000000e+00 : f32
    %sub3A_15 = vector.broadcast %sub3A_14 : f32 to vector<1x1x512x512xf32>
    %sub3A_16 = arith.subf %sub3A_15, %mul3A_13 : vector<1x1x512x512xf32>
    %bitcast_convert_type3A = tpu.bitcast %sub3A_16 : vector<1x1x512x512xf32> -> vector<1x1x512x512xi32>
    %and3A = arith.constant -2 : i32
    %and3A_17 = vector.broadcast %and3A : i32 to vector<1x1x512x512xi32>
    %and3A_18 = arith.andi %bitcast_convert_type3A, %and3A_17 : vector<1x1x512x512xi32>
    %or3A = arith.ori %and3A_18, %get3A_8 : vector<1x1x512x512xi32>
    %swap3A = arith.constant 0 : index
    %swap3A_19 = arith.constant 0 : index
    %swap3A_20 = arith.constant 0 : index
    %swap3A_21 = arith.constant 0 : index
    %swap3A_22 = vector.load %arg3[%swap3A, %swap3A_19, %swap3A_20, %swap3A_21] : memref<1x1x512x512xi32, #tpu.memory_space<vmem>>, vector<1x1x512x512xi32>
    tpu.vector_store %arg3[%swap3A, %swap3A_19, %swap3A_20, %swap3A_21], %or3A {strides = array<i32>} : memref<1x1x512x512xi32, #tpu.memory_space<vmem>>, vector<1x1x512x512xi32>,
    %bitcast_convert_type3A_23 = tpu.bitcast %or3A : vector<1x1x512x512xi32> -> vector<1x1x512x512xf32>
    %reduce_min3A = vector.shape_cast %bitcast_convert_type3A_23 : vector<1x1x512x512xf32> to vector<1x1x1x512x512xf32>
    %reduce_min3A_24 = arith.constant dense<0x7F800000> : vector<1xf32>
    %reduce_min3A_25 = vector.multi_reduction <minimumf>, %reduce_min3A, %reduce_min3A_24 [1, 2, 3, 4] : vector<1x1x1x512x512xf32> to vector<1xf32>
    %reduce_min3A_26 = vector.shape_cast %reduce_min3A_25 : vector<1xf32> to vector<1x1x1x1x1xf32>
    %reduce_min3A_27 = vector.extract %reduce_min3A_26[0, 0, 0, 0, 0] : f32 from vector<1x1x1x1x1xf32>
    %broadcast_in_dim3A = vector.broadcast %reduce_min3A_27 : f32 to vector<1x1xf32>
    %reduce_max3A = vector.shape_cast %bitcast_convert_type3A_23 : vector<1x1x512x512xf32> to vector<1x1x1x512x512xf32>
    %reduce_max3A_28 = arith.constant dense<0xFF800000> : vector<1xf32>
    %reduce_max3A_29 = vector.multi_reduction <maximumf>, %reduce_max3A, %reduce_max3A_28 [1, 2, 3, 4] : vector<1x1x1x512x512xf32> to vector<1xf32>
    %reduce_max3A_30 = vector.shape_cast %reduce_max3A_29 : vector<1xf32> to vector<1x1x1x1x1xf32>
    %reduce_max3A_31 = vector.extract %reduce_max3A_30[0, 0, 0, 0, 0] : f32 from vector<1x1x1x1x1xf32>
    %broadcast_in_dim3A_32 = vector.broadcast %reduce_max3A_31 : f32 to vector<1x1xf32>
    %eq3A = arith.constant 0 : i32
    %eq3A_33 = arith.cmpi eq, %arg0, %eq3A : i32
    %convert_element_type3A_34 = arith.extui %eq3A_33 : i1 to i32
    %cond3A = arith.constant 0 : i32
    %cond3A_35 = arith.cmpi ne, %convert_element_type3A_34, %cond3A : i32
    scf.if %cond3A_35 {
      %swap3A_53 = arith.constant 0 : index
      %swap3A_54 = arith.constant 0 : index
      %swap3A_55 = vector.load %arg5[%swap3A_53, %swap3A_54] : memref<1x1xf32, #tpu.memory_space<vmem>>, vector<1x1xf32>
      tpu.vector_store %arg5[%swap3A_53, %swap3A_54], %broadcast_in_dim3A {strides = array<i32>} : memref<1x1xf32, #tpu.memory_space<vmem>>, vector<1x1xf32>,
      %swap3A_56 = arith.constant 0 : index
      %swap3A_57 = arith.constant 0 : index
      %swap3A_58 = vector.load %arg6[%swap3A_56, %swap3A_57] : memref<1x1xf32, #tpu.memory_space<vmem>>, vector<1x1xf32>
      tpu.vector_store %arg6[%swap3A_56, %swap3A_57], %broadcast_in_dim3A_32 {strides = array<i32>} : memref<1x1xf32, #tpu.memory_space<vmem>>, vector<1x1xf32>,
    } else {
    }
    %get3A_36 = arith.constant 0 : index
    %get3A_37 = arith.constant 0 : index
    %get3A_38 = vector.load %arg5[%get3A_36, %get3A_37] : memref<1x1xf32, #tpu.memory_space<vmem>>, vector<1x1xf32>
    %min3A = arith.minimumf %get3A_38, %broadcast_in_dim3A : vector<1x1xf32>
    %swap3A_39 = arith.constant 0 : index
    %swap3A_40 = arith.constant 0 : index
    %swap3A_41 = vector.load %arg5[%swap3A_39, %swap3A_40] : memref<1x1xf32, #tpu.memory_space<vmem>>, vector<1x1xf32>
    tpu.vector_store %arg5[%swap3A_39, %swap3A_40], %min3A {strides = array<i32>} : memref<1x1xf32, #tpu.memory_space<vmem>>, vector<1x1xf32>,
    %get3A_42 = arith.constant 0 : index
    %get3A_43 = arith.constant 0 : index
    %get3A_44 = vector.load %arg6[%get3A_42, %get3A_43] : memref<1x1xf32, #tpu.memory_space<vmem>>, vector<1x1xf32>
    %max3A = arith.maximumf %get3A_44, %broadcast_in_dim3A_32 : vector<1x1xf32>
    %swap3A_45 = arith.constant 0 : index
    %swap3A_46 = arith.constant 0 : index
    %swap3A_47 = vector.load %arg6[%swap3A_45, %swap3A_46] : memref<1x1xf32, #tpu.memory_space<vmem>>, vector<1x1xf32>
    tpu.vector_store %arg6[%swap3A_45, %swap3A_46], %max3A {strides = array<i32>} : memref<1x1xf32, #tpu.memory_space<vmem>>, vector<1x1xf32>,
    %eq3A_48 = arith.constant 7 : i32
    %eq3A_49 = arith.cmpi eq, %arg0, %eq3A_48 : i32
    %convert_element_type3A_50 = arith.extui %eq3A_49 : i1 to i32
    %cond3A_51 = arith.constant 0 : i32
    %cond3A_52 = arith.cmpi ne, %convert_element_type3A_50, %cond3A_51 : i32
    scf.if %cond3A_52 {
      %get3A_53 = arith.constant 0 : index
      %get3A_54 = arith.constant 0 : index
      %get3A_55 = vector.load %arg5[%get3A_53, %get3A_54] : memref<1x1xf32, #tpu.memory_space<vmem>>, vector<1x1xf32>
      %get3A_56 = arith.constant 0 : index
      %get3A_57 = arith.constant 0 : index
      %get3A_58 = vector.load %arg6[%get3A_56, %get3A_57] : memref<1x1xf32, #tpu.memory_space<vmem>>, vector<1x1xf32>
      %sub3A_59 = arith.subf %get3A_58, %get3A_55 : vector<1x1xf32>
      %gt3A = arith.constant 0.000000e+00 : f32
      %gt3A_60 = vector.broadcast %gt3A : f32 to vector<1x1xf32>
      %gt3A_61 = arith.cmpf ogt, %sub3A_59, %gt3A_60 : vector<1x1xf32>
      %div3A = arith.constant 4.095000e+03 : f32
      %div3A_62 = vector.broadcast %div3A : f32 to vector<1x1xf32>
      %div3A_63 = arith.divf %div3A_62, %sub3A_59 : vector<1x1xf32>
      %jit3A = arith.constant 0.000000e+00 : f32
      %broadcast_in_dim3A_64 = vector.broadcast %jit3A : f32 to vector<1x1xf32>
      %select_n3A = arith.select %gt3A_61, %div3A_63, %broadcast_in_dim3A_64 : vector<1x1xi1>, vector<1x1xf32>
      %iota3A = tpu.iota {dimensions = array<i32: 1>} : vector<1x16xi32>
      %eq3A_65 = arith.constant 0 : i32
      %eq3A_66 = vector.broadcast %eq3A_65 : i32 to vector<1x16xi32>
      %eq3A_67 = arith.cmpi eq, %iota3A, %eq3A_66 : vector<1x16xi32>
      %eq3A_68 = arith.constant 1 : i32
      %eq3A_69 = vector.broadcast %eq3A_68 : i32 to vector<1x16xi32>
      %eq3A_70 = arith.cmpi eq, %iota3A, %eq3A_69 : vector<1x16xi32>
      %jit3A_71 = arith.constant 0.000000e+00 : f32
      %broadcast_in_dim3A_72 = vector.shape_cast %select_n3A : vector<1x1xf32> to vector<1x1xf32>
      %broadcast_in_dim3A_73 = vector.broadcast %broadcast_in_dim3A_72 : vector<1x1xf32> to vector<1x16xf32>
      %broadcast_in_dim3A_74 = vector.broadcast %jit3A_71 : f32 to vector<1x16xf32>
      %select_n3A_75 = arith.select %eq3A_70, %broadcast_in_dim3A_73, %broadcast_in_dim3A_74 : vector<1x16xi1>, vector<1x16xf32>
      %broadcast_in_dim3A_76 = vector.shape_cast %get3A_55 : vector<1x1xf32> to vector<1x1xf32>
      %broadcast_in_dim3A_77 = vector.broadcast %broadcast_in_dim3A_76 : vector<1x1xf32> to vector<1x16xf32>
      %select_n3A_78 = arith.select %eq3A_67, %broadcast_in_dim3A_77, %select_n3A_75 : vector<1x16xi1>, vector<1x16xf32>
      %swap3A_79 = arith.constant 0 : index
      %swap3A_80 = arith.constant 0 : index
      %swap3A_81 = vector.load %arg4[%swap3A_79, %swap3A_80] : memref<1x16xf32, #tpu.memory_space<vmem>>, vector<1x16xf32>
      tpu.vector_store %arg4[%swap3A_79, %swap3A_80], %select_n3A_78 {strides = array<i32>} : memref<1x16xf32, #tpu.memory_space<vmem>>, vector<1x16xf32>,
    } else {
    }
    return
  }
  func.func @transform_0(%arg0: i32) -> (i32, i32, i32, i32) {
    %c0_i32 = arith.constant 0 : i32
    %c0_i32_0 = arith.constant 0 : i32
    %c0_i32_1 = arith.constant 0 : i32
    %c0_i32_2 = arith.constant 0 : i32
    return %arg0, %c0_i32, %c0_i32_0, %c0_i32_1 : i32, i32, i32, i32
  }
  func.func @transform_1(%arg0: i32) -> (i32, i32, i32, i32) {
    %c0_i32 = arith.constant 0 : i32
    %c0_i32_0 = arith.constant 0 : i32
    %c0_i32_1 = arith.constant 0 : i32
    %c0_i32_2 = arith.constant 0 : i32
    return %arg0, %c0_i32, %c0_i32_0, %c0_i32_1 : i32, i32, i32, i32
  }
  func.func @transform_2(%arg0: i32) -> (i32, i32, i32, i32) {
    %c0_i32 = arith.constant 0 : i32
    %c0_i32_0 = arith.constant 0 : i32
    %c0_i32_1 = arith.constant 0 : i32
    %c0_i32_2 = arith.constant 0 : i32
    return %arg0, %c0_i32, %c0_i32_0, %c0_i32_1 : i32, i32, i32, i32
  }
  func.func @transform_3(%arg0: i32) -> (i32, i32) {
    %c0_i32 = arith.constant 0 : i32
    %c0_i32_0 = arith.constant 0 : i32
    %c0_i32_1 = arith.constant 0 : i32
    return %c0_i32, %c0_i32_0 : i32, i32
  }
}

module attributes {stable_mosaic.version = 14 : i64} {
  func.func @_finish_body(%arg0: memref<32x16384xf32, #tpu.memory_space<vmem>>, %arg1: memref<1x1xf32, #tpu.memory_space<vmem>>) attributes {dimension_semantics = [], scalar_prefetch = 0 : i64, scratch_operands = 0 : i64, tpu.core_type = #tpu.core_type<tc>} {
    %get3A = arith.constant 0 : index
    %get3A_0 = arith.constant 0 : index
    %get3A_1 = vector.load %arg0[%get3A, %get3A_0] : memref<32x16384xf32, #tpu.memory_space<vmem>>, vector<32x16384xf32>
    %reduce_sum3A = arith.constant dense<0.000000e+00> : vector<16384xf32>
    %reduce_sum3A_2 = vector.multi_reduction <add>, %get3A_1, %reduce_sum3A [0] : vector<32x16384xf32> to vector<16384xf32>
    %reshape3A = vector.shape_cast %reduce_sum3A_2 : vector<16384xf32> to vector<4x32x128xf32>
    %slice3A = vector.extract_strided_slice %reshape3A {offsets = [0, 0, 0], sizes = [1, 32, 128], strides = [1, 1, 1]} : vector<4x32x128xf32> to vector<1x32x128xf32>
    %squeeze3A = vector.shape_cast %slice3A : vector<1x32x128xf32> to vector<32x128xf32>
    %slice3A_3 = vector.extract_strided_slice %reshape3A {offsets = [1, 0, 0], sizes = [1, 32, 128], strides = [1, 1, 1]} : vector<4x32x128xf32> to vector<1x32x128xf32>
    %squeeze3A_4 = vector.shape_cast %slice3A_3 : vector<1x32x128xf32> to vector<32x128xf32>
    %slice3A_5 = vector.extract_strided_slice %reshape3A {offsets = [2, 0, 0], sizes = [1, 32, 128], strides = [1, 1, 1]} : vector<4x32x128xf32> to vector<1x32x128xf32>
    %squeeze3A_6 = vector.shape_cast %slice3A_5 : vector<1x32x128xf32> to vector<32x128xf32>
    %slice3A_7 = vector.extract_strided_slice %reshape3A {offsets = [3, 0, 0], sizes = [1, 32, 128], strides = [1, 1, 1]} : vector<4x32x128xf32> to vector<1x32x128xf32>
    %squeeze3A_8 = vector.shape_cast %slice3A_7 : vector<1x32x128xf32> to vector<32x128xf32>
    %iota3A = tpu.iota {dimensions = array<i32: 0>} : vector<128x128xi32>
    %iota3A_9 = tpu.iota {dimensions = array<i32: 1>} : vector<128x128xi32>
    %le3A = arith.cmpi sle, %iota3A, %iota3A_9 : vector<128x128xi32>
    %convert_element_type3A = arith.extui %le3A : vector<128x128xi1> to vector<128x128xi32>
    %convert_element_type3A_10 = arith.sitofp %convert_element_type3A : vector<128x128xi32> to vector<128x128xf32>
    %iota3A_11 = tpu.iota {dimensions = array<i32: 0>} : vector<32x32xi32>
    %iota3A_12 = tpu.iota {dimensions = array<i32: 1>} : vector<32x32xi32>
    %lt3A = arith.cmpi slt, %iota3A_12, %iota3A_11 : vector<32x32xi32>
    %convert_element_type3A_13 = arith.extui %lt3A : vector<32x32xi1> to vector<32x32xi32>
    %convert_element_type3A_14 = arith.sitofp %convert_element_type3A_13 : vector<32x32xi32> to vector<32x32xf32>
    %reduce_sum3A_15 = vector.shape_cast %squeeze3A : vector<32x128xf32> to vector<1x32x128xf32>
    %reduce_sum3A_16 = arith.constant dense<0.000000e+00> : vector<1xf32>
    %reduce_sum3A_17 = vector.multi_reduction <add>, %reduce_sum3A_15, %reduce_sum3A_16 [1, 2] : vector<1x32x128xf32> to vector<1xf32>
    %reduce_sum3A_18 = vector.shape_cast %reduce_sum3A_17 : vector<1xf32> to vector<1x1x1xf32>
    %reduce_sum3A_19 = vector.extract %reduce_sum3A_18[0, 0, 0] : f32 from vector<1x1x1xf32>
    %dot_general3A = arith.constant dense<0.000000e+00> : vector<32x128xf32>
    %dot_general3A_20 = tpu.matmul %squeeze3A, %convert_element_type3A_10, %dot_general3A {dimension_numbers = #tpu.dot_dimension_numbers<[1], [0], [0], [1], [0, 0, 1, 1], [], []>, precision = #tpu.contract_precision<fp32>, transpose_lhs_hint = false} : vector<32x128xf32>, vector<128x128xf32>, vector<32x128xf32> -> vector<32x128xf32>
    %reduce_sum3A_21 = arith.constant dense<0.000000e+00> : vector<32xf32>
    %reduce_sum3A_22 = vector.multi_reduction <add>, %squeeze3A, %reduce_sum3A_21 [1] : vector<32x128xf32> to vector<32xf32>
    %broadcast_in_dim3A = vector.shape_cast %reduce_sum3A_22 : vector<32xf32> to vector<32x1xf32>
    %dot_general3A_23 = arith.constant dense<0.000000e+00> : vector<32x1xf32>
    %dot_general3A_24 = tpu.matmul %convert_element_type3A_14, %broadcast_in_dim3A, %dot_general3A_23 {dimension_numbers = #tpu.dot_dimension_numbers<[1], [0], [0], [1], [0, 0, 1, 1], [], []>, precision = #tpu.contract_precision<fp32>, transpose_lhs_hint = false} : vector<32x32xf32>, vector<32x1xf32>, vector<32x1xf32> -> vector<32x1xf32>
    %add3A = vector.broadcast %dot_general3A_24 : vector<32x1xf32> to vector<32x128xf32>
    %add3A_25 = arith.addf %dot_general3A_20, %add3A : vector<32x128xf32>
    %sub3A = vector.broadcast %reduce_sum3A_19 : f32 to vector<32x128xf32>
    %sub3A_26 = arith.subf %sub3A, %add3A_25 : vector<32x128xf32>
    %reduce_sum3A_27 = vector.shape_cast %squeeze3A_4 : vector<32x128xf32> to vector<1x32x128xf32>
    %reduce_sum3A_28 = arith.constant dense<0.000000e+00> : vector<1xf32>
    %reduce_sum3A_29 = vector.multi_reduction <add>, %reduce_sum3A_27, %reduce_sum3A_28 [1, 2] : vector<1x32x128xf32> to vector<1xf32>
    %reduce_sum3A_30 = vector.shape_cast %reduce_sum3A_29 : vector<1xf32> to vector<1x1x1xf32>
    %reduce_sum3A_31 = vector.extract %reduce_sum3A_30[0, 0, 0] : f32 from vector<1x1x1xf32>
    %dot_general3A_32 = arith.constant dense<0.000000e+00> : vector<32x128xf32>
    %dot_general3A_33 = tpu.matmul %squeeze3A_4, %convert_element_type3A_10, %dot_general3A_32 {dimension_numbers = #tpu.dot_dimension_numbers<[1], [0], [0], [1], [0, 0, 1, 1], [], []>, precision = #tpu.contract_precision<fp32>, transpose_lhs_hint = false} : vector<32x128xf32>, vector<128x128xf32>, vector<32x128xf32> -> vector<32x128xf32>
    %reduce_sum3A_34 = arith.constant dense<0.000000e+00> : vector<32xf32>
    %reduce_sum3A_35 = vector.multi_reduction <add>, %squeeze3A_4, %reduce_sum3A_34 [1] : vector<32x128xf32> to vector<32xf32>
    %broadcast_in_dim3A_36 = vector.shape_cast %reduce_sum3A_35 : vector<32xf32> to vector<32x1xf32>
    %dot_general3A_37 = arith.constant dense<0.000000e+00> : vector<32x1xf32>
    %dot_general3A_38 = tpu.matmul %convert_element_type3A_14, %broadcast_in_dim3A_36, %dot_general3A_37 {dimension_numbers = #tpu.dot_dimension_numbers<[1], [0], [0], [1], [0, 0, 1, 1], [], []>, precision = #tpu.contract_precision<fp32>, transpose_lhs_hint = false} : vector<32x32xf32>, vector<32x1xf32>, vector<32x1xf32> -> vector<32x1xf32>
    %add3A_39 = vector.broadcast %dot_general3A_38 : vector<32x1xf32> to vector<32x128xf32>
    %add3A_40 = arith.addf %dot_general3A_33, %add3A_39 : vector<32x128xf32>
    %sub3A_41 = vector.broadcast %reduce_sum3A_31 : f32 to vector<32x128xf32>
    %sub3A_42 = arith.subf %sub3A_41, %add3A_40 : vector<32x128xf32>
    %add3A_43 = vector.broadcast %reduce_sum3A_19 : f32 to vector<32x128xf32>
    %add3A_44 = arith.addf %add3A_43, %sub3A_42 : vector<32x128xf32>
    %gt3A = arith.constant 0.000000e+00 : f32
    %gt3A_45 = vector.broadcast %gt3A : f32 to vector<32x128xf32>
    %gt3A_46 = arith.cmpf ogt, %squeeze3A_6, %gt3A_45 : vector<32x128xf32>
    %add3A_47 = arith.addf %add3A_44, %squeeze3A_4 : vector<32x128xf32>
    %div3A = arith.divf %squeeze3A_6, %add3A_47 : vector<32x128xf32>
    %jit3A = arith.constant 0.000000e+00 : f32
    %broadcast_in_dim3A_48 = vector.broadcast %jit3A : f32 to vector<32x128xf32>
    %select_n3A = arith.select %gt3A_46, %div3A, %broadcast_in_dim3A_48 : vector<32x128xi1>, vector<32x128xf32>
    %gt3A_49 = arith.constant 0.000000e+00 : f32
    %gt3A_50 = vector.broadcast %gt3A_49 : f32 to vector<32x128xf32>
    %gt3A_51 = arith.cmpf ogt, %add3A_44, %gt3A_50 : vector<32x128xf32>
    %sub3A_52 = vector.broadcast %reduce_sum3A_19 : f32 to vector<32x128xf32>
    %sub3A_53 = arith.subf %sub3A_52, %sub3A_26 : vector<32x128xf32>
    %div3A_54 = arith.constant 1.000000e+00 : f32
    %div3A_55 = vector.broadcast %div3A_54 : f32 to vector<32x128xf32>
    %div3A_56 = arith.divf %div3A_55, %add3A_44 : vector<32x128xf32>
    %add3A_57 = arith.addf %add3A_44, %squeeze3A_4 : vector<32x128xf32>
    %div3A_58 = arith.constant 1.000000e+00 : f32
    %div3A_59 = vector.broadcast %div3A_58 : f32 to vector<32x128xf32>
    %div3A_60 = arith.divf %div3A_59, %add3A_57 : vector<32x128xf32>
    %sub3A_61 = arith.subf %div3A_56, %div3A_60 : vector<32x128xf32>
    %mul3A = arith.mulf %sub3A_53, %sub3A_61 : vector<32x128xf32>
    %jit3A_62 = arith.constant 1.000000e+00 : f32
    %broadcast_in_dim3A_63 = vector.broadcast %jit3A_62 : f32 to vector<32x128xf32>
    %select_n3A_64 = arith.select %gt3A_51, %mul3A, %broadcast_in_dim3A_63 : vector<32x128xi1>, vector<32x128xf32>
    %gt3A_65 = arith.constant 0.000000e+00 : f32
    %gt3A_66 = vector.broadcast %gt3A_65 : f32 to vector<32x128xf32>
    %gt3A_67 = arith.cmpf ogt, %squeeze3A_4, %gt3A_66 : vector<32x128xf32>
    %div3A_68 = arith.divf %squeeze3A_8, %squeeze3A_4 : vector<32x128xf32>
    %mul3A_69 = arith.mulf %div3A_68, %select_n3A_64 : vector<32x128xf32>
    %jit3A_70 = arith.constant 0.000000e+00 : f32
    %broadcast_in_dim3A_71 = vector.broadcast %jit3A_70 : f32 to vector<32x128xf32>
    %select_n3A_72 = arith.select %gt3A_67, %mul3A_69, %broadcast_in_dim3A_71 : vector<32x128xi1>, vector<32x128xf32>
    %add3A_73 = arith.addf %select_n3A, %select_n3A_72 : vector<32x128xf32>
    %reduce_sum3A_74 = vector.shape_cast %add3A_73 : vector<32x128xf32> to vector<1x32x128xf32>
    %reduce_sum3A_75 = arith.constant dense<0.000000e+00> : vector<1xf32>
    %reduce_sum3A_76 = vector.multi_reduction <add>, %reduce_sum3A_74, %reduce_sum3A_75 [1, 2] : vector<1x32x128xf32> to vector<1xf32>
    %reduce_sum3A_77 = vector.shape_cast %reduce_sum3A_76 : vector<1xf32> to vector<1x1x1xf32>
    %reduce_sum3A_78 = vector.extract %reduce_sum3A_77[0, 0, 0] : f32 from vector<1x1x1xf32>
    %broadcast_in_dim3A_79 = vector.broadcast %reduce_sum3A_78 : f32 to vector<1x1xf32>
    %swap3A = arith.constant 0 : index
    %swap3A_80 = arith.constant 0 : index
    %swap3A_81 = vector.load %arg1[%swap3A, %swap3A_80] : memref<1x1xf32, #tpu.memory_space<vmem>>, vector<1x1xf32>
    tpu.vector_store %arg1[%swap3A, %swap3A_80], %broadcast_in_dim3A_79 {strides = array<i32>} : memref<1x1xf32, #tpu.memory_space<vmem>>, vector<1x1xf32>,
    return
  }
}

</mosaic_0001>

<sc_bundles>
// kernel: kernel.5.cloned.1.call-start
scs
__scs_entry_jumppad:
0x0: {  	(pc) =	sbr.rel $0x88, $3  }
0x1: {  	(tag) =	ssettag $0x0;
	lr =	simm.s32 $0x1  }
0x2: {  	[smem:$0x3F9F] =	sst lr;
	_ =	strace $0xD0000000  }
0x3: {  	_ = 	snop  }
0x4: {  	_ = 	snop  }
0x5: {  	_ = 	snop  }
0x6: {  	_ = 	snop  }
0x7: {  	_ = 	snop  }
__scs_overlays_trampoline_lowered:
0x8: {  	[smem:$0x3FAE] =	sst s0  }
0x9: {  	[smem:$0x3FAF] =	sst s1  }
0xa: {  	[smem:$0x3FB0] =	sst s2  }
0xb: {  	[smem:$0x3FB1] =	sst s3  }
0xc: {  	[smem:$0x3FB2] =	sst s4  }
0xd: {  	[smem:$0x3FB3] =	sst s5  }
0xe: {  	[smem:$0x3FB4] =	sst s6  }
0xf: {  	[smem:$0x3FB5] =	sst s7  }
0x10: {  	[smem:$0x3FB6] =	sst s8  }
0x11: {  	[smem:$0x3FB7] =	sst s9;
	s0 =	simm.s32 @!p0 $0x0  }
0x12: {  	s1 =	sld [smem:$0x3F9D];
	s0 =	simm.s32 @p0 $0x1  }
0x13: {  	[smem:$0x3FB8] =	sst s0;
	s0 =	simm.s32 @!p1 $0x0  }
0x14: {  	s2 =	sld [smem:$0x3F9C];
	s0 =	simm.s32 @p1 $0x1  }
0x15: {  	[smem:$0x3FB9] =	sst s0;
	s0 =	simm.s32 @!p2 $0x0  }
0x16: {  	s3 =	sld [smem:$0x3FDB];
	s0 =	simm.s32 @p2 $0x1  }
0x17: {  	s4 =	simm.s32 $0x1BF5;
	[smem:$0x3FBB] =	sst s0  }
0x18: {  	s0 =	sld [smem:$0x3F9E];
	_ =	swait.ge [sflag:s4], $0x0  }
0x19: {  	s7 =	sld [smem:$0x3F9F]  }
0x1a: {  	s8 =	sadd.s32 $0xFFFFE003, lr  }
0x1b: {  	s9 =	sadd.s32 $0xFFFFFEF7, lr;
	s5 =	simm.s32 $0xFFFFFFFF;
	p2 =	slt.u32 s8, $0xFFFFF086  }
0x1c: {  	p1 =	slt.u32 s9, $0xF7A;
	s5 =	simm.s32 @!p2 $0x0  }
0x1d: {  	s5 =	simm.s32 @p1 $0x1;
	p0 =	seq.s32 s7, s2  }
0x1e: {  	s7 =	smul.u32 @!p0 $0xF7A, s2;
	p2 =	seq.s32 @!p0 s5, $0x0  }
0x1f: {  	s9 =	smul.u32 $0xF7A, s1;
	s8 =	simm.s32 @!p0 $0x1BF5;
	p2 =	por !p2, p0  }
0x20: {  	[sflag:s8] =	ssyncset.s32 @!p0 $0xFFFFF086;
	s6 =	sadd.s32 @!p0 s3, s7;
	s7 =	simm.s32 @!p0 $0x108  }
0x21: {  	s3 =	sadd.s32 s3, s9;
	s6 =	sadd.s32 @!p0 $0x88, s6;
	s7 =	simm.s32 @p2 $0x1082  }
0x22: {  	[simem:s7], [sflag:s8] =	dma.local @!p0 [hbm:s6], $0xF7A  }
0x23: {  	s9 =	sor.u32 $0xD0000000, s2;
	s6 =	simm.s32 $0x108;
	_ =	swait.ge @!p0 [sflag:s8], $0x0  }
0x24: {  	s3 =	sadd.s32 $0x88, s3;
	s6 =	simm.s32 @!p1 $0x1082;
	[sflag:s4] =	ssyncset.s32 $0xFFFFF086  }
0x25: {  	[simem:s6], [sflag:s4] =	dma.local [hbm:s3], $0xF7A  }
0x26: {  	[smem:$0x3F9F] =	sst s1;
	(tag) =	ssettag s2;
	_ =	strace s9  }
0x27: {  	s1 =	sld [smem:$0x3FAF]  }
0x28: {  	s2 =	sld [smem:$0x3FB0]  }
0x29: {  	s4 =	sld [smem:$0x3FB2]  }
0x2a: {  	p0 =	seq.s32 s5, $0x0;
	s5 =	sld [smem:$0x3FB3]  }
0x2b: {  	s6 =	sld [smem:$0x3FB4]  }
0x2c: {  	s7 =	sld [smem:$0x3FB5]  }
0x2d: {  	s3 =	simm.s32 $0x108;
	s8 =	sld [smem:$0x3FB6]  }
0x2e: {  	s3 =	simm.s32 @!p0 $0x1082;
	s9 =	sld [smem:$0x3FB7]  }
0x2f: {  	lr =	sadd.s32 s0, s3;
	s0 =	sld [smem:$0x3FAE]  }
0x30: {  	s3 =	sld [smem:$0x3FB1]  }
0x31: {  	[smem:$0x3FBA] =	sst s10  }
0x32: {  	s10 =	sld [smem:$0x3FB8];
	_ =	sdelay $0x3  }
0x33: {  	p0 =	seq.s32 s10, $0x1;
	s10 =	sld [smem:$0x3FBA];
	_ =	sdelay $0x3  }
0x34: {  	[smem:$0x3FBA] =	sst s10  }
0x35: {  	s10 =	sld [smem:$0x3FB9];
	_ =	sdelay $0x3  }
0x36: {  	p1 =	seq.s32 s10, $0x1;
	s10 =	sld [smem:$0x3FBA];
	_ =	sdelay $0x3  }
0x37: {  	[smem:$0x3FBA] =	sst s10  }
0x38: {  	s10 =	sld [smem:$0x3FBB]  }
0x39: {  	_ = 	snop;
	(pc) =	sbr.ind lr, $3  }
0x3a: {  	_ = 	snop  }
0x3b: {  	_ = 	snop  }
0x3c: {  	p2 =	seq.s32 s10, $0x1;
	s10 =	sld [smem:$0x3FBA]  }
0x3d: {  	_ =	shalt  }
0x3e: {  	_ =	shalt  }
0x3f: {  	_ =	shalt  }
0x40: {  	_ =	shalt  }
0x41: {  	_ =	shalt  }
0x42: {  	_ =	shalt  }
0x43: {  	_ =	shalt  }
0x44: {  	_ =	shalt  }
0x45: {  	_ =	shalt  }
0x46: {  	_ =	shalt  }
0x47: {  	_ =	shalt  }
0x48: {  	_ =	shalt  }
0x49: {  	_ =	shalt  }
0x4a: {  	_ =	shalt  }
0x4b: {  	_ =	shalt  }
0x4c: {  	_ =	shalt  }
0x4d: {  	_ =	shalt  }
0x4e: {  	_ =	shalt  }
0x4f: {  	_ =	shalt  }
0x50: {  	_ =	shalt  }
0x51: {  	_ =	shalt  }
0x52: {  	_ =	shalt  }
0x53: {  	_ =	shalt  }
0x54: {  	_ =	shalt  }
0x55: {  	_ =	shalt  }
0x56: {  	_ =	shalt  }
0x57: {  	_ =	shalt  }
0x58: {  	_ =	shalt  }
0x59: {  	_ =	shalt  }
0x5a: {  	_ =	shalt  }
0x5b: {  	_ =	shalt  }
0x5c: {  	_ =	shalt  }
0x5d: {  	_ =	shalt  }
0x5e: {  	_ =	shalt  }
0x5f: {  	_ =	shalt  }
0x60: {  	_ =	shalt  }
0x61: {  	_ =	shalt  }
0x62: {  	_ =	shalt  }
0x63: {  	_ =	shalt  }
0x64: {  	_ =	shalt  }
0x65: {  	_ =	shalt  }
0x66: {  	_ =	shalt  }
0x67: {  	_ =	shalt  }
0x68: {  	_ =	shalt  }
0x69: {  	_ =	shalt  }
0x6a: {  	_ =	shalt  }
0x6b: {  	_ =	shalt  }
0x6c: {  	_ =	shalt  }
0x6d: {  	_ =	shalt  }
0x6e: {  	_ =	shalt  }
0x6f: {  	_ =	shalt  }
0x70: {  	_ =	shalt  }
0x71: {  	_ =	shalt  }
0x72: {  	_ =	shalt  }
0x73: {  	_ =	shalt  }
0x74: {  	_ =	shalt  }
0x75: {  	_ =	shalt  }
0x76: {  	_ =	shalt  }
0x77: {  	_ =	shalt  }
0x78: {  	_ =	shalt  }
0x79: {  	_ =	shalt  }
0x7a: {  	_ =	shalt  }
0x7b: {  	_ =	shalt  }
0x7c: {  	_ =	shalt  }
0x7d: {  	_ =	shalt  }
0x7e: {  	_ =	shalt  }
0x7f: {  	_ =	shalt  }
0x80: {  	_ =	shalt  }
0x81: {  	_ =	shalt  }
0x82: {  	_ =	shalt  }
0x83: {  	_ =	shalt  }
0x84: {  	_ =	shalt  }
0x85: {  	_ =	shalt  }
0x86: {  	_ =	shalt  }
0x87: {  	_ =	shalt  }
.Lfunc_end0:
.L_simem_size_0:
called_computation_lowered:
.L_overlay_start_0:
0x88: {  	s2 =	sld [smem:$0x3FD9]  }
0x89: {  	s3 =	sld [smem:$0x3FFE];
	_ =	sdelay $0x1  }
0x8a: {  	s1 =	srdreg.scid  }
0x8b: {  	s0 =	sand.u32 $0x1, s1  }
0x8c: {  	s17 =	sshll.u32 s0, $0xA;
	s2 =	sadd.s32 s3, s2  }
0x8d: {  	s2 =	sadd.s32 s2, s17  }
0x8e: {  	[smem:$0x3FC6] =	sst s2  }
0x8f: {  	_ = 	snop  }
0x90: {  	s2 =	sld [smem:$0x3FD0];
	(tm) =	ssettm $0x1  }
0x91: {  	s18 =	sld [smem:$0x3FFB];
	_ =	sdelay $0x3  }
0x92: {  	_ =	strace s18  }
0x93: {  	s3 =	sld [smem:$0x3FFC];
	_ =	sdelay $0x3  }
0x94: {  	_ =	strace s3  }
0x95: {  	s3 =	sld [smem:$0x3FFD];
	_ =	sdelay $0x3  }
0x96: {  	_ =	strace s3  }
0x97: {  	_ =	strace $0x8FFFFFFF  }
0x98: {  	s19 =	sld [smem:$0x3FDB];
	_ =	sdelay $0x1  }
0x99: {  	s4 =	simm.s32 $_scs_section_size  }
0x9a: {  	s5 =	simm.s32 $_size__tile_overlayer_lowered;
	s6 =	simm.s32 $_tile_overlayer_lowered  }
0x9b: {  	s22 =	simm.s32 $0x1BFF;
	s21 =	sshll.u32 s6, $0x1;
	s3 =	sadd.s32 s4, s19  }
0x9c: {  	s7 =	simm.s32 $0x0;
	s20 =	sshll.u32 s5, $0x1;
	s5 =	sadd.s32 s21, s3  }
0x9d: {  	[timem:s7], [sflag:s22] =	dma.local [hbm:s5], s20  }
0x9e: {  	_ =	swait.ge [sflag:s22], s20  }
0x9f: {  	s4 =	ssub.s32 $0x0, s20;
	[sflag:s22] =	ssyncset.done $0x0  }
0xa0: {  	[sflag:s22] =	ssyncadd.s32 s4;
	_ =	sdelay $0x1  }
0xa1: {  	s23 =	simm.s32 $0x1B8B  }
0xa2: {  	_ =	swait.ge [sflag:s23], $0x1  }
0xa3: {  	[sflag:s23] =	ssyncset.done $0x0  }
0xa4: {  	s25 =	simm.s32 $0x1B8E;
	s24 =	sld [smem:$0x3FFE];
	[sflag:s23] =	ssyncadd.s32 $0xFFFFFFFF  }
0xa5: {  	s26 =	simm.s32 $execute0_lowered;
	[smem:$0x3FD2] =	sst s25  }
0xa6: {  	s5 =	sshll.u32 s26, $0x1;
	_ =	strace $0x80000046;
	[dreg:$0x1] =	wrdreg $0xFFFFFFFF  }
0xa7: {  	s28 =	simm.s32 $_size_execute0_lowered;
	s3 =	sadd.s32 s3, s5;
	[dreg:$0x0] =	wrdreg $0x0  }
0xa8: {  	s5 =	sshll.u32 s28, $0x1;
	[dreg:$0x2] =	wrdreg s3  }
0xa9: {  	[dreg:$0x3] =	wrdreg s5  }
0xaa: {  	[dreg:$0x4] =	wrdreg $0xC0  }
0xab: {  	_ =	task [dreg:s7], $0x5FFFF  }
0xac: {  	[dreg:$0x1] =	wrdreg $0xFFFFFFFF  }
0xad: {  	[dreg:$0x0] =	wrdreg $0x60  }
0xae: {  	[dreg:$0x2] =	wrdreg s24  }
0xaf: {  	[dreg:$0x3] =	wrdreg s2  }
0xb0: {  	[dreg:$0x4] =	wrdreg $0x9  }
0xb1: {  	_ =	task.clear_ibuf [dreg:s7], $0x5FFFF;
	_ =	strace $0x90000046  }
0xb2: {  	s29 =	simm.s32 $0x9;
	_ =	strace $0x80000048  }
0xb3: {  	_ =	swait.ge [sflag:s29], $0x1  }
0xb4: {  	[sflag:s29] =	ssyncadd.s32 $0xFFFFFFFF  }
0xb5: {  	_ =	strace $0x90000048  }
0xb6: {  	_ =	sfence  }
0xb7: {  	s30 =	sld [smem:$0x0];
	_ =	sdelay $0x2  }
0xb8: {  	s31 =	sshll.u32 s1, $0xD;
	s1 =	sshrl.u32 s1, $0x2  }
0xb9: {  	s3 =	sand.u32 $0x4000, s31;
	s1 =	sadd.s32 s1, s30  }
0xba: {  	s0 =	sor.u32 s3, s0;
	s1 =	sshll.u32 s1, $0x11  }
0xbb: {  	s0 =	sor.u32 s1, s0  }
0xbc: {  	s0 =	sadd.s32 $0x8F2B, s0  }
0xbd: {  	[sflag:s0] =	ssyncadd.remote.s32 $0x1  }
0xbe: {  	_ =	sfence.sel $0xFFFF  }
0xbf: {  	[dreg:$0x0] =	wrdreg $0xFFFFFFFF;
	(pc) =	sbr.abs _section_cstart, $3  }
0xc0: {  	[dreg:$0x1] =	wrdreg $0xFFFFFFFF  }
0xc1: {  	_ =	task.clear_ibuf [dreg:s7], $0x2FFFF;
	_ =	strace $0x9FFFFFFF  }
0xc2: {  	(tm) =	ssettm $0x7FFFFFFF  }
0xc3: {  	_ =	shalt  }
tec
execute0_lowered:
.L_overlay_start_1:
0x0: {  	(tag) =	ssettag $0x1  }
0x1: {  	s5 =	rddreg [dreg:$0x0]  }
0x2: {  	s1 =	rddreg [dreg:$0x1]  }
0x3: {  	s0 =	rddreg [dreg:$0x2];
	s3 =	simm.s32 $0x0;
	s2 =	stileid.u32  }
0x4: {  	s4 =	srdreg.scid;
	s12 =	simm.s32 $0x3;
	s13 =	simm.s32 $0x4000  }
0x5: {  	s14 =	simm.s32 $0x6000;
	s15 =	simm.s32 $0x1;
	s16 =	simm.s32 $0x2  }
0x6: {  	s17 =	simm.s32 $0x80;
	s18 =	simm.s32 $0x400;
	s19 =	simm.s32 $0x0  }
0x7: {  	[smem:$0x7FF] =	sst s3;
	s6 =	sshll.u32 s2, $0xC;
	s7 =	sand.u32 $0x1, s4  }
0x8: {  	s8 =	sshll.u32 s2, $0x1;
	s4 =	sadd.s32 $0xE00, s5;
	s30 =	sshll.u32 s2, $0x11  }
0x9: {  	_ =	strace $0x80000047;
	s6 =	sand.u32 $0xC000, s6;
	s8 =	sor.u32 s7, s8  }
0xa: {  	s7 =	ssub.s32 $0x2, s7;
	s9 =	sadd.s32 s6, s5;
	s29 =	sand.u32 $0x3, s8  }
0xb: {  	s5 =	sand.u32 $0x1C0000, s30;
	s11 =	sshrl.u32 s7, $0x1;
	s8 =	sshll.u32 s8, $0x4  }
0xc: {  	s10 =	sshll.u32 s29, $0x10;
	s11 =	ssub.s32 s7, s11;
	s8 =	sand.u32 $0x70, s8  }
0xd: {  	s6 =	sshll.u32 s29, $0x7;
	s10 =	sor.u32 s5, s10;
	s9 =	sadd.s32 s8, s9  }
0xe: {  	s8 =	sor.u32 $0x20, s6;
	s31 =	sshrl.u32 s10, $0x3;
	s9 =	sadd.s32 $0x40E00, s9  }
0xf: {  	v0 =	vimm.f32 $0.0e+00;
	v1 =	vimm.f32 $1.000000000e+00;
	s10 =	smax.u32 s11, $0x1;
	s11 =	simm.s32 $0x8000;
	s7 =	sadd.s32 s4, s31  }
.LBB2_1:
0x10: {  	[tilespmem:s11], [sflag:$0x3] =	stream.linear.gather [hbm4b:s1+s3], $0x80, $0x38;
	[tilespmem:$0x8080] =	vst v63  }
0x11: {  	_ =	swait.ge [sflag:s12], $0x80  }
0x12: {  	[sflag:s12] =	ssyncset.done $0x0  }
0x13: {  	s20 =	simm.s32 $0x0;
	s21 =	simm.s32 $0x200;
	[sflag:s12] =	ssyncadd.s32 $0xFFFFFF80  }
0x14: {  	v2 =	vld [tilespmem:$0x8000];
	[tilespmem:s13], [sflag:$0x1] =	stream.linear.gather [hbm4b:s7+s3], $0x2000, $0x38  }
.LBB2_2:
0x15: {  	p0 =	seq.s32 s21, $0xFE00;
	[tilespmem:s20+$0x70] =	vst v0  }
0x16: {  	[tilespmem:s20+$0x0] =	vst v0  }
0x17: {  	[tilespmem:s20+$0x10] =	vst v0  }
.Ltmp0:
0x18: {  	[tilespmem:s20+$0x20] =	vst v0;
	(pc) =	sbr.rel @!p0 .LBB2_2-.Ltmp0, $4  }
0x19: {  	[tilespmem:s20+$0x30] =	vst v0  }
0x1a: {  	[tilespmem:s20+$0x40] =	vst v0  }
0x1b: {  	[tilespmem:s20+$0x50] =	vst v0  }
0x1c: {  	[tilespmem:s20+$0x60] =	vst v0;
	s20 =	sshra.s32 s21, $0x2;
	s21 =	sadd.s32 $0x200, s21  }
0x1d: {  	(v2sf) =	vpush v2, $0x0  }
0x1e: {  	(v2sf) =	vpush v2, $0x1;
	_ =	sdelay $0x8  }
0x1f: {  	[tilespmem:s20+$0x70] =	vst v0  }
0x20: {  	[tilespmem:s20+$0x0] =	vst v0  }
0x21: {  	[tilespmem:s20+$0x10] =	vst v0  }
0x22: {  	[tilespmem:s20+$0x20] =	vst v0  }
0x23: {  	[tilespmem:s20+$0x30] =	vst v0  }
0x24: {  	[tilespmem:s20+$0x40] =	vst v0;
	s31 =	spop (v2sf)  }
0x25: {  	[tilespmem:s20+$0x50] =	vst v0;
	s21 =	spop (v2sf)  }
0x26: {  	[tilespmem:s20+$0x60] =	vst v0;
	s20 =	smul.f32 s21, s31;
	_ =	sdelay $0x1  }
0x27: {  	v2 =	vbroadcast v2, $0x1;
	s21 =	simm.s32 $0x0;
	v3 =	vmov s20;
	s20 =	simm.s32 $0x0  }
.LBB2_4:
0x28: {  	s22 =	sshll.u32 s21, $0x5  }
0x29: {  	s23 =	sadd.s32 s22, s6  }
0x2a: {  	s23 =	sshll.u32 s23, $0x9  }
0x2b: {  	s23 =	sadd.s32 s5, s23  }
0x2c: {  	s23 =	sadd.s32 $0x2000, s23  }
0x2d: {  	s23 =	sshrl.u32 s23, $0x3  }
0x2e: {  	s23 =	sadd.s32 s4, s23  }
0x2f: {  	[tilespmem:s14], [sflag:$0x2] =	stream.linear.gather [hbm4b:s23+s20], $0x2000, $0x38;
	[tilespmem:$0x8080] =	vst v63  }
0x30: {  	s31 =	sand.u32 $0x1000, s20;
	s24 =	sand.u32 $0xC00, s20;
	_ =	swait.ge [sflag:s15], $0x2000  }
0x31: {  	s25 =	sand.u32 $0x380, s20;
	s23 =	sor.u32 s24, s31;
	[sflag:s15] =	ssyncset.done $0x0  }
0x32: {  	s23 =	sor.u32 s25, s23;
	[sflag:s15] =	ssyncadd.s32 $0xFFFFE000  }
0x33: {  	v11 =	vld [tilespmem:s23+$0x4070]  }
0x34: {  	v6 =	vld [tilespmem:s23+$0x4000]  }
0x35: {  	v4 =	vld [tilespmem:s23+$0x4010]  }
0x36: {  	v5 =	vld [tilespmem:s23+$0x4020]  }
0x37: {  	v7 =	vld [tilespmem:s23+$0x4030]  }
0x38: {  	v8 =	vld [tilespmem:s23+$0x4040];
	v10 =	vmul.f32 v11, v2  }
0x39: {  	v9 =	vld [tilespmem:s23+$0x4050];
	v12 =	vmul.f32 $1.442695020e+00, v6;
	v13 =	vmul.f32 v6, v2  }
0x3a: {  	v15 =	vmul.f32 $1.442695020e+00, v4;
	v16 =	vmul.f32 v4, v2  }
0x3b: {  	v18 =	vmul.f32 $1.442695020e+00, v5;
	v19 =	vmul.f32 v5, v2  }
0x3c: {  	v14 =	vshll.u32 v6, $0xC;
	v20 =	vmul.f32 $1.442695020e+00, v11;
	v21 =	vmul.f32 v7, v2  }
0x3d: {  	v22 =	vshll.u32 v4, $0xC;
	v23 =	vmul.f32 v8, v2;
	v26 =	vmul.f32 $1.442695020e+00, v7  }
0x3e: {  	v24 =	vshll.u32 v11, $0xC;
	v27 =	vmul.f32 $1.442695020e+00, v8;
	v28 =	vmul.f32 $1.442695020e+00, v9  }
0x3f: {  	vm13 =	vgt.f32 v11, $0.0e+00;
	v17 =	vsub.f32 v10, v3;
	v13 =	vsub.f32 v13, v3  }
0x40: {  	v16 =	vsub.f32 v16, v3;
	(erf) = vpow2.f32 v20;
	v20 =	vmul.f32 v9, v2  }
0x41: {  	v19 =	vsub.f32 v19, v3;
	(erf) = vpow2.f32 v12;
	v17 =	vtrunc.f32 v17  }
0x42: {  	v23 =	vsub.f32 v23, v3;
	v13 =	vtrunc.f32 v13;
	v12 =	vtrunc.f32 v16  }
0x43: {  	v21 =	vsub.f32 v21, v3;
	(erf) = vpow2.f32 v15;
	v15 =	vtrunc.f32 v19  }
0x44: {  	v24 =	vand.u32 $0x1000, v24;
	v10 =	vld [tilespmem:s23+$0x4060];
	v19 =	vtrunc.f32 v23;
	v17 =	vcvt.f32.s32 v17  }
0x45: {  	v20 =	vsub.f32 v20, v3;
	(erf) = vpow2.f32 v18;
	v18 =	vtrunc.f32 v21  }
0x46: {  	v16 =	vadd.f32 $1.000000000e+00, v11;
	v13 =	vcvt.f32.s32 v13;
	v12 =	vcvt.f32.s32 v12  }
0x47: {  	v23 =	vshll.u32 v8, $0xC;
	v15 =	vcvt.f32.s32 v15;
	v19 =	vcvt.f32.s32 v19  }
0x48: {  	v21 =	vshll.u32 v7, $0xC;
	(erf) = vpow2.f32 v26;
	v20 =	vtrunc.f32 v20  }
0x49: {  	v26 =	vshll.u32 v9, $0xC;
	v18 =	vcvt.f32.s32 v18;
	v25 =	vmul.f32 v10, v2  }
0x4a: {  	vm0 =	vlt.s32 v17, $0xFFF;
	v30 =	vmul.f32 $1.442695020e+00, v10;
	(erf) = vpow2.f32 v27  }
0x4b: {  	v27 =	vshll.u32 v10, $0xC;
	vm14 =	vlt.s32 v13, $0xFFF;
	v20 =	vcvt.f32.s32 v20  }
0x4c: {  	vm1 =	vlt.s32 v12, $0xFFF;
	vm2 =	vlt.s32 v15, $0xFFF;
	vm4 =	vlt.s32 v19, $0xFFF  }
0x4d: {  	v17 =	vnsel vm0, $0xFFF, v17;
	(erf) = vpow2.f32 v28;
	vm3 =	vlt.s32 v18, $0xFFF  }
0x4e: {  	v13 =	vnsel vm14, $0xFFF, v13;
	v15 =	vnsel vm2, $0xFFF, v15;
	v19 =	vnsel vm4, $0xFFF, v19  }
0x4f: {  	v24 =	vadd.s32 v24, v17;
	v17 =	vand.u32 $0x7F, v17;
	v25 =	vsub.f32 v25, v3  }
0x50: {  	vm5 =	vlt.s32 v20, $0xFFF;
	v31 =	vnsel vm3, $0xFFF, v18;
	v18 =	vand.u32 $0x1000, v21  }
0x51: {  	v21 =	vand.u32 $0x1000, v26;
	v40 =	vand.u32 $0x7F, v15;
	v35 =	vand.u32 $0x7F, v19  }
0x52: {  	v29 =	vand.u32 $0xFFFFFF80, v24;
	v32 =	vnsel vm5, $0xFFF, v20;
	v20 =	vand.u32 $0x1000, v23  }
0x53: {  	v36 =	vadd.s32 v18, v31;
	v34 =	vand.u32 $0x7F, v31;
	v17 =	vor.u32 v17, v29  }
0x54: {  	v11 =	vpop (erf);
	v25 =	vtrunc.f32 v25;
	(erf) = vpow2.f32 v30;
	v30 =	vnsel vm1, $0xFFF, v12  }
0x55: {  	v12 =	vand.u32 $0x1000, v14;
	v14 =	vand.u32 $0x1000, v22;
	v22 =	vand.u32 $0x1000, v27  }
0x56: {  	v37 =	vadd.s32 v20, v19;
	v20 =	vadd.s32 v21, v32;
	v17 =	vadd.s32 $0x2000, v17  }
0x57: {  	v29 =	vand.u32 $0xFFFFFF80, v36;
	v32 =	vand.u32 $0x7F, v32;
	v19 =	vadd.f32 $1.000000000e+00, v4  }
0x58: {  	v11 =	vsel vm13, v16, v11;
	v16 =	vshll.u32 v5, $0xC;
	v25 =	vcvt.f32.s32 v25  }
0x59: {  	v23 =	vadd.s32 v12, v13;
	v26 =	vadd.s32 v14, v30;
	v28 =	vand.u32 $0xFFFFFF80, v37  }
0x5a: {  	v16 =	vand.u32 $0x1000, v16;
	v21 =	vand.u32 $0xFFFFFF80, v23;
	vm15 =	vlt.s32 v25, $0xFFF;
	[tilespmem:v24+s3+$0x0] =	vst.idx.add.f32.msk $0xffff, v1;
	v12 =	vpop (erf)  }
0x5b: {  	v38 =	vand.u32 $0xFFFFFF80, v26;
	v27 =	vadd.s32 v16, v15;
	v33 =	vnsel vm15, $0xFFF, v25;
	[tilespmem:v17+s3+$0x0] =	vst.idx.add.f32.msk $0xffff, v11;
	v11 =	vpop (erf)  }
0x5c: {  	v39 =	vand.u32 $0xFFFFFF80, v27;
	v25 =	vand.u32 $0xFFFFFF80, v20;
	[tilespmem:v36+s3+$0x0] =	vst.idx.add.f32.msk $0xffff, v1;
	v17 =	vand.u32 $0x7F, v13;
	v13 =	vpop (erf)  }
0x5d: {  	v18 =	vadd.s32 v22, v33;
	v31 =	vand.u32 $0x7F, v33;
	v22 =	vadd.f32 $1.000000000e+00, v6;
	[tilespmem:v37+s3+$0x0] =	vst.idx.add.f32.msk $0xffff, v1;
	v14 =	vpop (erf)  }
0x5e: {  	v36 =	vor.u32 v40, v39;
	v24 =	vand.u32 $0xFFFFFF80, v18;
	[tilespmem:v23+s3+$0x0] =	vst.idx.add.f32.msk $0xffff, v1;
	v23 =	vand.u32 $0x7F, v30;
	v16 =	vpop (erf)  }
0x5f: {  	s26 =	simm.s32 $0x80;
	[tilespmem:v26+s3+$0x0] =	vst.idx.add.f32.msk $0xffff, v1;
	v26 =	vadd.f32 $1.000000000e+00, v5;
	v30 =	vor.u32 v23, v38;
	v23 =	vadd.f32 $1.000000000e+00, v7;
	v15 =	vpop (erf)  }
0x60: {  	s24 =	simm.s32 $0x20;
	s25 =	simm.s32 $0x400;
	s23 =	simm.s32 $0x0;
	v33 =	vor.u32 v17, v21;
	v21 =	vadd.f32 $1.000000000e+00, v9;
	[tilespmem:v27+s3+$0x0] =	vst.idx.add.f32.msk $0xffff, v1;
	v27 =	vadd.f32 $1.000000000e+00, v8;
	v17 =	vpop (erf)  }
.LBB2_5:
0x61: {  	s28 =	sand.u32 $0x1000, s26;
	s29 =	sand.u32 $0xC00, s25;
	s23 =	sadd.s32 $0x8, s23;
	v29 =	vor.u32 v34, v29;
	v28 =	vor.u32 v35, v28;
	[tilespmem:v20+s3+$0x0] =	vst.idx.add.f32.msk $0xffff, v1;
	v20 =	vadd.f32 $1.000000000e+00, v10  }
0x62: {  	s30 =	sand.u32 $0x380, s24;
	vm0 =	vgt.f32 v6, $0.0e+00;
	v25 =	vor.u32 v32, v25;
	s28 =	sor.u32 s29, s28;
	p0 =	slt.u32 s23, $0x1F8;
	[tilespmem:v18+s3+$0x0] =	vst.idx.add.f32.msk $0xffff, v1;
	v18 =	vor.u32 v31, v24  }
0x63: {  	vm1 =	vgt.f32 v4, $0.0e+00;
	vm2 =	vgt.f32 v5, $0.0e+00;
	vm3 =	vgt.f32 v7, $0.0e+00;
	s28 =	sor.u32 s30, s28  }
0x64: {  	vm4 =	vgt.f32 v8, $0.0e+00;
	vm5 =	vgt.f32 v9, $0.0e+00;
	vm6 =	vgt.f32 v10, $0.0e+00;
	v24 =	vld [tilespmem:s28+$0x4070]  }
0x65: {  	v30 =	vadd.s32 $0x2000, v30;
	v32 =	vadd.s32 $0x2000, v36;
	v31 =	vadd.s32 $0x2000, v33;
	v6 =	vld [tilespmem:s28+$0x4000]  }
0x66: {  	v29 =	vadd.s32 $0x2000, v29;
	v28 =	vadd.s32 $0x2000, v28;
	v25 =	vadd.s32 $0x2000, v25;
	v4 =	vld [tilespmem:s28+$0x4010]  }
0x67: {  	v12 =	vsel vm0, v22, v12;
	v11 =	vsel vm1, v19, v11;
	v18 =	vadd.s32 $0x2000, v18;
	v5 =	vld [tilespmem:s28+$0x4020]  }
0x68: {  	v13 =	vsel vm2, v26, v13;
	v14 =	vsel vm3, v23, v14;
	v16 =	vsel vm4, v27, v16;
	v7 =	vld [tilespmem:s28+$0x4030]  }
0x69: {  	v15 =	vsel vm5, v21, v15;
	v17 =	vsel vm6, v20, v17;
	v8 =	vld [tilespmem:s28+$0x4040];
	v19 =	vmul.f32 v24, v2  }
0x6a: {  	v20 =	vmul.f32 $1.442695020e+00, v6;
	v21 =	vmul.f32 v6, v2;
	v22 =	vshll.u32 v6, $0xC;
	v9 =	vld [tilespmem:s28+$0x4050]  }
0x6b: {  	v23 =	vmul.f32 $1.442695020e+00, v4;
	v26 =	vmul.f32 v4, v2;
	v10 =	vld [tilespmem:s28+$0x4060];
	v19 =	vsub.f32 v19, v3  }
0x6c: {  	v21 =	vsub.f32 v21, v3;
	v27 =	vmul.f32 $1.442695020e+00, v5;
	v33 =	vmul.f32 v5, v2;
	[tilespmem:v31+s3+$0x0] =	vst.idx.add.f32.msk $0xffff, v12  }
0x6d: {  	v12 =	vsub.f32 v26, v3;
	v26 =	vmul.f32 $1.442695020e+00, v24;
	v19 =	vtrunc.f32 v19;
	[tilespmem:v32+s3+$0x0] =	vst.idx.add.f32.msk $0xffff, v13  }
0x6e: {  	v31 =	vmul.f32 v7, v2;
	v13 =	vsub.f32 v33, v3;
	v19 =	vcvt.f32.s32 v19;
	[tilespmem:v29+s3+$0x0] =	vst.idx.add.f32.msk $0xffff, v14  }
0x6f: {  	v29 =	vshll.u32 v4, $0xC;
	v14 =	vmul.f32 v8, v2;
	(erf) = vpow2.f32 v26;
	[tilespmem:v28+s3+$0x0] =	vst.idx.add.f32.msk $0xffff, v16  }
0x70: {  	v16 =	vmul.f32 v9, v2;
	v26 =	vshll.u32 v24, $0xC;
	vm0 =	vlt.s32 v19, $0xFFF;
	[tilespmem:v30+s3+$0x0] =	vst.idx.add.f32.msk $0xffff, v11  }
0x71: {  	v11 =	vmul.f32 v10, v2;
	v26 =	vand.u32 $0x1000, v26;
	v19 =	vnsel vm0, $0xFFF, v19;
	[tilespmem:v25+s3+$0x0] =	vst.idx.add.f32.msk $0xffff, v15  }
0x72: {  	v15 =	vmul.f32 $1.442695020e+00, v7;
	v25 =	vmul.f32 $1.442695020e+00, v8;
	v26 =	vadd.s32 v26, v19;
	[tilespmem:v18+s3+$0x0] =	vst.idx.add.f32.msk $0xffff, v17  }
0x73: {  	v17 =	vmul.f32 $1.442695020e+00, v9;
	v19 =	vand.u32 $0x7F, v19;
	v18 =	vand.u32 $0xFFFFFF80, v26  }
0x74: {  	v28 =	vsub.f32 v31, v3;
	v30 =	vmul.f32 $1.442695020e+00, v10;
	v18 =	vor.u32 v19, v18  }
0x75: {  	v14 =	vsub.f32 v14, v3;
	v16 =	vsub.f32 v16, v3;
	v18 =	vadd.s32 $0x2000, v18  }
0x76: {  	v11 =	vsub.f32 v11, v3;
	v19 =	vtrunc.f32 v21;
	(erf) = vpow2.f32 v20  }
0x77: {  	v12 =	vtrunc.f32 v12;
	v20 =	vadd.f32 $1.000000000e+00, v24;
	(erf) = vpow2.f32 v23  }
0x78: {  	v13 =	vtrunc.f32 v13;
	vm0 =	vgt.f32 v24, $0.0e+00;
	(erf) = vpow2.f32 v27;
	v21 =	vpop (erf)  }
0x79: {  	v23 =	vtrunc.f32 v28;
	v20 =	vsel vm0, v20, v21;
	[tilespmem:v26+s3+$0x0] =	vst.idx.add.f32.msk $0xffff, v1;
	(erf) = vpow2.f32 v15  }
0x7a: {  	v14 =	vtrunc.f32 v14;
	v21 =	vshll.u32 v5, $0xC;
	[tilespmem:v18+s3+$0x0] =	vst.idx.add.f32.msk $0xffff, v20;
	(erf) = vpow2.f32 v25  }
0x7b: {  	v15 =	vtrunc.f32 v16;
	v18 =	vshll.u32 v7, $0xC;
	(erf) = vpow2.f32 v17  }
0x7c: {  	v11 =	vtrunc.f32 v11;
	v20 =	vshll.u32 v8, $0xC;
	(erf) = vpow2.f32 v30  }
0x7d: {  	v16 =	vcvt.f32.s32 v19;
	v19 =	vshll.u32 v9, $0xC;
	v17 =	vcvt.f32.s32 v12  }
0x7e: {  	v24 =	vcvt.f32.s32 v13;
	v23 =	vcvt.f32.s32 v23;
	v25 =	vshll.u32 v10, $0xC  }
0x7f: {  	v26 =	vcvt.f32.s32 v14;
	v15 =	vcvt.f32.s32 v15;
	vm0 =	vlt.s32 v16, $0xFFF;
	v12 =	vpop (erf)  }
0x80: {  	vm2 =	vlt.s32 v24, $0xFFF;
	v27 =	vcvt.f32.s32 v11;
	vm1 =	vlt.s32 v17, $0xFFF;
	v11 =	vpop (erf)  }
0x81: {  	vm3 =	vlt.s32 v23, $0xFFF;
	vm4 =	vlt.s32 v26, $0xFFF;
	vm5 =	vlt.s32 v15, $0xFFF;
	v13 =	vpop (erf)  }
0x82: {  	v30 =	vnsel vm0, $0xFFF, v16;
	vm0 =	vlt.s32 v27, $0xFFF;
	v31 =	vnsel vm1, $0xFFF, v17;
	v14 =	vpop (erf)  }
0x83: {  	v32 =	vnsel vm2, $0xFFF, v24;
	v23 =	vnsel vm3, $0xFFF, v23;
	v26 =	vnsel vm4, $0xFFF, v26;
	v16 =	vpop (erf)  }
0x84: {  	v22 =	vand.u32 $0x1000, v22;
	v33 =	vnsel vm5, $0xFFF, v15;
	v27 =	vnsel vm0, $0xFFF, v27;
	v15 =	vpop (erf)  }
0x85: {  	v24 =	vand.u32 $0x1000, v29;
	v21 =	vand.u32 $0x1000, v21;
	v18 =	vand.u32 $0x1000, v18;
	v17 =	vpop (erf)  }
0x86: {  	v19 =	vand.u32 $0x1000, v19;
	v20 =	vand.u32 $0x1000, v20;
	v25 =	vand.u32 $0x1000, v25  }
0x87: {  	v21 =	vadd.s32 v21, v32;
	v22 =	vadd.s32 v22, v30;
	v35 =	vadd.s32 v24, v31  }
0x88: {  	v36 =	vadd.s32 v18, v23;
	v37 =	vadd.s32 v20, v26;
	v20 =	vadd.s32 v19, v33  }
0x89: {  	v19 =	vand.u32 $0xFFFFFF80, v22;
	v18 =	vadd.s32 v25, v27;
	v38 =	vand.u32 $0xFFFFFF80, v35  }
0x8a: {  	v39 =	vand.u32 $0xFFFFFF80, v21;
	v29 =	vand.u32 $0xFFFFFF80, v36;
	v28 =	vand.u32 $0xFFFFFF80, v37  }
0x8b: {  	v30 =	vand.u32 $0x7F, v30;
	v25 =	vand.u32 $0xFFFFFF80, v20;
	v24 =	vand.u32 $0xFFFFFF80, v18  }
.Ltmp1:
0x8c: {  	v41 =	vand.u32 $0x7F, v32;
	v34 =	vand.u32 $0x7F, v23;
	v40 =	vand.u32 $0x7F, v31;
	[tilespmem:v22+s3+$0x0] =	vst.idx.add.f32.msk $0xffff, v1;
	(pc) =	sbr.rel @p0 .LBB2_5-.Ltmp1, $4  }
0x8d: {  	v32 =	vand.u32 $0x7F, v33;
	v31 =	vand.u32 $0x7F, v27;
	[tilespmem:v35+s3+$0x0] =	vst.idx.add.f32.msk $0xffff, v1;
	v35 =	vand.u32 $0x7F, v26  }
0x8e: {  	v33 =	vor.u32 v30, v19;
	v19 =	vadd.f32 $1.000000000e+00, v4;
	v22 =	vadd.f32 $1.000000000e+00, v6;
	[tilespmem:v21+s3+$0x0] =	vst.idx.add.f32.msk $0xffff, v1  }
0x8f: {  	v23 =	vadd.f32 $1.000000000e+00, v7;
	v30 =	vor.u32 v40, v38;
	v26 =	vadd.f32 $1.000000000e+00, v5;
	[tilespmem:v36+s3+$0x0] =	vst.idx.add.f32.msk $0xffff, v1  }
0x90: {  	s24 =	sadd.s32 $0x20, s24;
	s25 =	sadd.s32 $0x400, s25;
	s26 =	sadd.s32 $0x80, s26;
	v27 =	vadd.f32 $1.000000000e+00, v8;
	v21 =	vadd.f32 $1.000000000e+00, v9;
	v36 =	vor.u32 v41, v39;
	[tilespmem:v37+s3+$0x0] =	vst.idx.add.f32.msk $0xffff, v1  }
0x91: {  	_ =	sdelay $0x1  }
0x92: {  	v33 =	vadd.s32 $0x2000, v33;
	v29 =	vor.u32 v34, v29  }
0x93: {  	v60 =	vadd.s32 $0x2000, v36;
	v28 =	vor.u32 v35, v28;
	vm0 =	vgt.f32 v6, $0.0e+00  }
0x94: {  	[tilespmem:v20+s3+$0x0] =	vst.idx.add.f32.msk $0xffff, v1;
	v20 =	vor.u32 v32, v25;
	vm1 =	vgt.f32 v5, $0.0e+00;
	v5 =	vadd.s32 $0x2000, v30  }
0x95: {  	v24 =	vor.u32 v31, v24;
	vm6 =	vgt.f32 v7, $0.0e+00;
	v6 =	vadd.s32 $0x2000, v29  }
0x96: {  	[tilespmem:v18+s3+$0x0] =	vst.idx.add.f32.msk $0xffff, v1;
	vm7 =	vgt.f32 v8, $0.0e+00;
	v25 =	vadd.s32 $0x2000, v28;
	v12 =	vsel vm0, v22, v12  }
0x97: {  	vm8 =	vgt.f32 v4, $0.0e+00;
	v7 =	vadd.s32 $0x2000, v20;
	v13 =	vsel vm1, v26, v13;
	[tilespmem:v33+s3+$0x0] =	vst.idx.add.f32.msk $0xffff, v12  }
0x98: {  	p0 =	seq.s32 s21, $0x3;
	vm9 =	vgt.f32 v9, $0.0e+00;
	v8 =	vadd.s32 $0x2000, v24;
	v9 =	vsel vm8, v19, v11;
	[tilespmem:v60+s3+$0x0] =	vst.idx.add.f32.msk $0xffff, v13  }
0x99: {  	s22 =	sadd.s32 @!p0 s22, s8;
	v12 =	vsel vm6, v23, v14;
	[tilespmem:v5+s3+$0x0] =	vst.idx.add.f32.msk $0xffff, v9  }
0x9a: {  	v4 =	vsel vm7, v27, v16;
	s22 =	sshll.u32 @!p0 s22, $0x9;
	[tilespmem:v6+s3+$0x0] =	vst.idx.add.f32.msk $0xffff, v12;
	v6 =	vadd.f32 $1.000000000e+00, v10  }
0x9b: {  	vm10 =	vgt.f32 v10, $0.0e+00;
	s22 =	sadd.s32 @!p0 s5, s22;
	[tilespmem:v25+s3+$0x0] =	vst.idx.add.f32.msk $0xffff, v4;
	v4 =	vsel vm9, v21, v15  }
0x9c: {  	s29 =	simm.s32 $0x0;
	s22 =	sshrl.u32 @!p0 s22, $0x3;
	[tilespmem:v7+s3+$0x0] =	vst.idx.add.f32.msk $0xffff, v4;
	v5 =	vsel vm10, v6, v17  }
0x9d: {  	s23 =	simm.s32 @!p0 $0x0;
	s24 =	simm.s32 @!p0 $0x4000;
	s22 =	sadd.s32 @!p0 s4, s22;
	[tilespmem:v8+s3+$0x0] =	vst.idx.add.f32.msk $0xffff, v5  }
0x9e: {  	[tilespmem:s24], [sflag:$0x1] =	stream.linear.gather @!p0 [hbm4b:s22+s23], $0x2000, $0x38;
	[tilespmem:$0x8080] =	vst v63  }
0x9f: {  	s30 =	sand.u32 $0x1000, s29;
	s31 =	sand.u32 $0xC00, s29;
	_ =	swait.ge [sflag:s16], $0x2000  }
0xa0: {  	s22 =	sand.u32 $0x380, s29;
	s23 =	sor.u32 s31, s30;
	[sflag:s16] =	ssyncset.done $0x0  }
0xa1: {  	s22 =	sor.u32 s22, s23;
	[sflag:s16] =	ssyncadd.s32 $0xFFFFE000  }
0xa2: {  	v11 =	vld [tilespmem:s22+$0x6070]  }
0xa3: {  	v6 =	vld [tilespmem:s22+$0x6000]  }
0xa4: {  	v4 =	vld [tilespmem:s22+$0x6010]  }
0xa5: {  	v5 =	vld [tilespmem:s22+$0x6020]  }
0xa6: {  	v7 =	vld [tilespmem:s22+$0x6030]  }
0xa7: {  	v8 =	vld [tilespmem:s22+$0x6040];
	v10 =	vmul.f32 v11, v2  }
0xa8: {  	v9 =	vld [tilespmem:s22+$0x6050];
	v12 =	vmul.f32 $1.442695020e+00, v6;
	v13 =	vmul.f32 v6, v2  }
0xa9: {  	v15 =	vmul.f32 $1.442695020e+00, v4;
	v16 =	vmul.f32 v4, v2  }
0xaa: {  	v18 =	vmul.f32 $1.442695020e+00, v5;
	v19 =	vmul.f32 v5, v2  }
0xab: {  	v14 =	vshll.u32 v6, $0xC;
	v20 =	vmul.f32 $1.442695020e+00, v11;
	v21 =	vmul.f32 v7, v2  }
0xac: {  	v22 =	vshll.u32 v4, $0xC;
	v23 =	vmul.f32 v8, v2;
	v26 =	vmul.f32 $1.442695020e+00, v7  }
0xad: {  	v24 =	vshll.u32 v11, $0xC;
	v27 =	vmul.f32 $1.442695020e+00, v8;
	v28 =	vmul.f32 $1.442695020e+00, v9  }
0xae: {  	vm12 =	vgt.f32 v11, $0.0e+00;
	v17 =	vsub.f32 v10, v3;
	v13 =	vsub.f32 v13, v3  }
0xaf: {  	v16 =	vsub.f32 v16, v3;
	(erf) = vpow2.f32 v20;
	v20 =	vmul.f32 v9, v2  }
0xb0: {  	v19 =	vsub.f32 v19, v3;
	(erf) = vpow2.f32 v12;
	v17 =	vtrunc.f32 v17  }
0xb1: {  	v23 =	vsub.f32 v23, v3;
	v13 =	vtrunc.f32 v13;
	v12 =	vtrunc.f32 v16  }
0xb2: {  	v21 =	vsub.f32 v21, v3;
	(erf) = vpow2.f32 v15;
	v15 =	vtrunc.f32 v19  }
0xb3: {  	v24 =	vand.u32 $0x1000, v24;
	v10 =	vld [tilespmem:s22+$0x6060];
	v19 =	vtrunc.f32 v23;
	v17 =	vcvt.f32.s32 v17  }
0xb4: {  	v20 =	vsub.f32 v20, v3;
	(erf) = vpow2.f32 v18;
	v18 =	vtrunc.f32 v21  }
0xb5: {  	v16 =	vadd.f32 $1.000000000e+00, v11;
	v13 =	vcvt.f32.s32 v13;
	v12 =	vcvt.f32.s32 v12  }
0xb6: {  	v23 =	vshll.u32 v8, $0xC;
	v15 =	vcvt.f32.s32 v15;
	v19 =	vcvt.f32.s32 v19  }
0xb7: {  	v21 =	vshll.u32 v7, $0xC;
	(erf) = vpow2.f32 v26;
	v20 =	vtrunc.f32 v20  }
0xb8: {  	v26 =	vshll.u32 v9, $0xC;
	v18 =	vcvt.f32.s32 v18;
	v25 =	vmul.f32 v10, v2  }
0xb9: {  	vm11 =	vlt.s32 v17, $0xFFF;
	v30 =	vmul.f32 $1.442695020e+00, v10;
	(erf) = vpow2.f32 v27  }
0xba: {  	v27 =	vshll.u32 v10, $0xC;
	vm13 =	vlt.s32 v13, $0xFFF;
	v20 =	vcvt.f32.s32 v20  }
0xbb: {  	vm14 =	vlt.s32 v12, $0xFFF;
	vm2 =	vlt.s32 v15, $0xFFF;
	vm4 =	vlt.s32 v19, $0xFFF  }
0xbc: {  	v17 =	vnsel vm11, $0xFFF, v17;
	(erf) = vpow2.f32 v28;
	vm3 =	vlt.s32 v18, $0xFFF  }
0xbd: {  	v13 =	vnsel vm13, $0xFFF, v13;
	v15 =	vnsel vm2, $0xFFF, v15;
	v19 =	vnsel vm4, $0xFFF, v19  }
0xbe: {  	v24 =	vadd.s32 v24, v17;
	v17 =	vand.u32 $0x7F, v17;
	v25 =	vsub.f32 v25, v3  }
0xbf: {  	vm5 =	vlt.s32 v20, $0xFFF;
	v31 =	vnsel vm3, $0xFFF, v18;
	v18 =	vand.u32 $0x1000, v21  }
0xc0: {  	v21 =	vand.u32 $0x1000, v26;
	v39 =	vand.u32 $0x7F, v15;
	v35 =	vand.u32 $0x7F, v19  }
0xc1: {  	v29 =	vand.u32 $0xFFFFFF80, v24;
	v61 =	vnsel vm5, $0xFFF, v20;
	v20 =	vand.u32 $0x1000, v23  }
0xc2: {  	v34 =	vand.u32 $0x7F, v31;
	v17 =	vor.u32 v17, v29;
	v25 =	vtrunc.f32 v25  }
0xc3: {  	v11 =	vpop (erf);
	(erf) = vpow2.f32 v30;
	v30 =	vnsel vm14, $0xFFF, v12;
	v12 =	vand.u32 $0x1000, v14  }
0xc4: {  	v14 =	vand.u32 $0x1000, v22;
	v22 =	vand.u32 $0x1000, v27;
	v27 =	vadd.s32 v18, v31  }
0xc5: {  	v37 =	vadd.s32 v20, v19;
	v20 =	vadd.s32 v21, v61;
	v17 =	vadd.s32 $0x2000, v17  }
0xc6: {  	v32 =	vand.u32 $0x7F, v61;
	v19 =	vadd.f32 $1.000000000e+00, v4;
	v11 =	vsel vm12, v16, v11  }
0xc7: {  	v16 =	vshll.u32 v5, $0xC;
	v25 =	vcvt.f32.s32 v25;
	v23 =	vadd.s32 v12, v13  }
0xc8: {  	v26 =	vadd.s32 v14, v30;
	v29 =	vand.u32 $0xFFFFFF80, v27;
	v16 =	vand.u32 $0x1000, v16  }
0xc9: {  	v28 =	vand.u32 $0xFFFFFF80, v37;
	vm15 =	vlt.s32 v25, $0xFFF;
	v16 =	vadd.s32 v16, v15;
	[tilespmem:v24+s3+$0x0] =	vst.idx.add.f32.msk $0xffff, v1;
	v12 =	vpop (erf)  }
0xca: {  	v21 =	vand.u32 $0xFFFFFF80, v23;
	v63 =	vand.u32 $0xFFFFFF80, v26;
	v62 =	vnsel vm15, $0xFFF, v25;
	[tilespmem:v17+s3+$0x0] =	vst.idx.add.f32.msk $0xffff, v11;
	v11 =	vpop (erf)  }
0xcb: {  	v38 =	vand.u32 $0xFFFFFF80, v16;
	v25 =	vand.u32 $0xFFFFFF80, v20;
	[tilespmem:v27+s3+$0x0] =	vst.idx.add.f32.msk $0xffff, v1;
	v17 =	vand.u32 $0x7F, v13;
	v13 =	vpop (erf)  }
0xcc: {  	v18 =	vadd.s32 v22, v62;
	v31 =	vand.u32 $0x7F, v62;
	v22 =	vadd.f32 $1.000000000e+00, v6;
	[tilespmem:v23+s3+$0x0] =	vst.idx.add.f32.msk $0xffff, v1;
	v14 =	vpop (erf)  }
0xcd: {  	v36 =	vor.u32 v39, v38;
	v27 =	vadd.f32 $1.000000000e+00, v8;
	v24 =	vand.u32 $0xFFFFFF80, v18;
	[tilespmem:v26+s3+$0x0] =	vst.idx.add.f32.msk $0xffff, v1;
	v15 =	vpop (erf)  }
0xce: {  	s25 =	simm.s32 $0x80;
	v23 =	vand.u32 $0x7F, v30;
	v26 =	vadd.f32 $1.000000000e+00, v5;
	v33 =	vor.u32 v17, v21;
	[tilespmem:v16+s3+$0x0] =	vst.idx.add.f32.msk $0xffff, v1;
	v16 =	vpop (erf)  }
0xcf: {  	s24 =	simm.s32 $0x400;
	s23 =	simm.s32 $0x20;
	s22 =	simm.s32 $0x0;
	[tilespmem:v37+s3+$0x0] =	vst.idx.add.f32.msk $0xffff, v1;
	v30 =	vor.u32 v23, v63;
	v23 =	vadd.f32 $1.000000000e+00, v7;
	v21 =	vadd.f32 $1.000000000e+00, v9;
	v17 =	vpop (erf)  }
.LBB2_7:
0xd0: {  	s26 =	sand.u32 $0x1000, s25;
	s28 =	sand.u32 $0xC00, s24;
	s22 =	sadd.s32 $0x8, s22;
	v29 =	vor.u32 v34, v29;
	v28 =	vor.u32 v35, v28;
	[tilespmem:v20+s3+$0x0] =	vst.idx.add.f32.msk $0xffff, v1;
	v20 =	vadd.f32 $1.000000000e+00, v10  }
0xd1: {  	s29 =	sand.u32 $0x380, s23;
	vm0 =	vgt.f32 v6, $0.0e+00;
	v25 =	vor.u32 v32, v25;
	s26 =	sor.u32 s28, s26;
	p0 =	slt.u32 s22, $0x1F8;
	[tilespmem:v18+s3+$0x0] =	vst.idx.add.f32.msk $0xffff, v1;
	v18 =	vor.u32 v31, v24  }
0xd2: {  	vm1 =	vgt.f32 v4, $0.0e+00;
	vm2 =	vgt.f32 v5, $0.0e+00;
	vm3 =	vgt.f32 v7, $0.0e+00;
	s26 =	sor.u32 s29, s26  }
0xd3: {  	vm4 =	vgt.f32 v8, $0.0e+00;
	vm5 =	vgt.f32 v9, $0.0e+00;
	vm6 =	vgt.f32 v10, $0.0e+00;
	v24 =	vld [tilespmem:s26+$0x6070]  }
0xd4: {  	v30 =	vadd.s32 $0x2000, v30;
	v32 =	vadd.s32 $0x2000, v36;
	v31 =	vadd.s32 $0x2000, v33;
	v6 =	vld [tilespmem:s26+$0x6000]  }
0xd5: {  	v29 =	vadd.s32 $0x2000, v29;
	v28 =	vadd.s32 $0x2000, v28;
	v25 =	vadd.s32 $0x2000, v25;
	v4 =	vld [tilespmem:s26+$0x6010]  }
0xd6: {  	v12 =	vsel vm0, v22, v12;
	v11 =	vsel vm1, v19, v11;
	v18 =	vadd.s32 $0x2000, v18;
	v5 =	vld [tilespmem:s26+$0x6020]  }
0xd7: {  	v13 =	vsel vm2, v26, v13;
	v14 =	vsel vm3, v23, v14;
	v15 =	vsel vm4, v27, v15;
	v7 =	vld [tilespmem:s26+$0x6030]  }
0xd8: {  	v16 =	vsel vm5, v21, v16;
	v17 =	vsel vm6, v20, v17;
	v8 =	vld [tilespmem:s26+$0x6040];
	v19 =	vmul.f32 v24, v2  }
0xd9: {  	v20 =	vmul.f32 $1.442695020e+00, v6;
	v21 =	vmul.f32 v6, v2;
	v22 =	vshll.u32 v6, $0xC;
	v9 =	vld [tilespmem:s26+$0x6050]  }
0xda: {  	v23 =	vmul.f32 $1.442695020e+00, v4;
	v26 =	vmul.f32 v4, v2;
	v10 =	vld [tilespmem:s26+$0x6060];
	v19 =	vsub.f32 v19, v3  }
0xdb: {  	v21 =	vsub.f32 v21, v3;
	v27 =	vmul.f32 $1.442695020e+00, v5;
	v33 =	vmul.f32 v5, v2;
	[tilespmem:v31+s3+$0x0] =	vst.idx.add.f32.msk $0xffff, v12  }
0xdc: {  	v12 =	vsub.f32 v26, v3;
	v26 =	vmul.f32 $1.442695020e+00, v24;
	v19 =	vtrunc.f32 v19;
	[tilespmem:v32+s3+$0x0] =	vst.idx.add.f32.msk $0xffff, v13  }
0xdd: {  	v31 =	vmul.f32 v7, v2;
	v13 =	vsub.f32 v33, v3;
	v19 =	vcvt.f32.s32 v19;
	[tilespmem:v29+s3+$0x0] =	vst.idx.add.f32.msk $0xffff, v14  }
0xde: {  	v29 =	vshll.u32 v4, $0xC;
	v14 =	vmul.f32 v8, v2;
	(erf) = vpow2.f32 v26;
	[tilespmem:v28+s3+$0x0] =	vst.idx.add.f32.msk $0xffff, v15  }
0xdf: {  	v15 =	vmul.f32 v9, v2;
	v26 =	vshll.u32 v24, $0xC;
	vm0 =	vlt.s32 v19, $0xFFF;
	[tilespmem:v30+s3+$0x0] =	vst.idx.add.f32.msk $0xffff, v11  }
0xe0: {  	v11 =	vmul.f32 v10, v2;
	v26 =	vand.u32 $0x1000, v26;
	v19 =	vnsel vm0, $0xFFF, v19;
	[tilespmem:v25+s3+$0x0] =	vst.idx.add.f32.msk $0xffff, v16  }
0xe1: {  	v16 =	vmul.f32 $1.442695020e+00, v7;
	v25 =	vmul.f32 $1.442695020e+00, v8;
	v26 =	vadd.s32 v26, v19;
	[tilespmem:v18+s3+$0x0] =	vst.idx.add.f32.msk $0xffff, v17  }
0xe2: {  	v17 =	vmul.f32 $1.442695020e+00, v9;
	v19 =	vand.u32 $0x7F, v19;
	v18 =	vand.u32 $0xFFFFFF80, v26  }
0xe3: {  	v28 =	vsub.f32 v31, v3;
	v30 =	vmul.f32 $1.442695020e+00, v10;
	v18 =	vor.u32 v19, v18  }
0xe4: {  	v14 =	vsub.f32 v14, v3;
	v15 =	vsub.f32 v15, v3;
	v18 =	vadd.s32 $0x2000, v18  }
0xe5: {  	v11 =	vsub.f32 v11, v3;
	v19 =	vtrunc.f32 v21;
	(erf) = vpow2.f32 v20  }
0xe6: {  	v12 =	vtrunc.f32 v12;
	v20 =	vadd.f32 $1.000000000e+00, v24;
	(erf) = vpow2.f32 v23  }
0xe7: {  	v13 =	vtrunc.f32 v13;
	vm0 =	vgt.f32 v24, $0.0e+00;
	(erf) = vpow2.f32 v27;
	v21 =	vpop (erf)  }
0xe8: {  	v23 =	vtrunc.f32 v28;
	v20 =	vsel vm0, v20, v21;
	[tilespmem:v26+s3+$0x0] =	vst.idx.add.f32.msk $0xffff, v1;
	(erf) = vpow2.f32 v16  }
0xe9: {  	v14 =	vtrunc.f32 v14;
	v21 =	vshll.u32 v5, $0xC;
	[tilespmem:v18+s3+$0x0] =	vst.idx.add.f32.msk $0xffff, v20;
	(erf) = vpow2.f32 v25  }
0xea: {  	v15 =	vtrunc.f32 v15;
	v18 =	vshll.u32 v7, $0xC;
	(erf) = vpow2.f32 v17  }
0xeb: {  	v11 =	vtrunc.f32 v11;
	v20 =	vshll.u32 v8, $0xC;
	(erf) = vpow2.f32 v30  }
0xec: {  	v16 =	vcvt.f32.s32 v19;
	v19 =	vshll.u32 v9, $0xC;
	v17 =	vcvt.f32.s32 v12  }
0xed: {  	v24 =	vcvt.f32.s32 v13;
	v23 =	vcvt.f32.s32 v23;
	v25 =	vshll.u32 v10, $0xC  }
0xee: {  	v27 =	vcvt.f32.s32 v15;
	v26 =	vcvt.f32.s32 v14;
	vm0 =	vlt.s32 v16, $0xFFF;
	v12 =	vpop (erf)  }
0xef: {  	v28 =	vcvt.f32.s32 v11;
	vm2 =	vlt.s32 v24, $0xFFF;
	vm1 =	vlt.s32 v17, $0xFFF;
	v11 =	vpop (erf)  }
0xf0: {  	vm3 =	vlt.s32 v23, $0xFFF;
	vm5 =	vlt.s32 v27, $0xFFF;
	vm4 =	vlt.s32 v26, $0xFFF;
	v13 =	vpop (erf)  }
0xf1: {  	v30 =	vnsel vm0, $0xFFF, v16;
	vm0 =	vlt.s32 v28, $0xFFF;
	v31 =	vnsel vm1, $0xFFF, v17;
	v14 =	vpop (erf)  }
0xf2: {  	v32 =	vnsel vm2, $0xFFF, v24;
	v23 =	vnsel vm3, $0xFFF, v23;
	v26 =	vnsel vm4, $0xFFF, v26;
	v15 =	vpop (erf)  }
0xf3: {  	v22 =	vand.u32 $0x1000, v22;
	v27 =	vnsel vm5, $0xFFF, v27;
	v33 =	vnsel vm0, $0xFFF, v28;
	v16 =	vpop (erf)  }
0xf4: {  	v24 =	vand.u32 $0x1000, v29;
	v21 =	vand.u32 $0x1000, v21;
	v18 =	vand.u32 $0x1000, v18;
	v17 =	vpop (erf)  }
0xf5: {  	v19 =	vand.u32 $0x1000, v19;
	v20 =	vand.u32 $0x1000, v20;
	v25 =	vand.u32 $0x1000, v25  }
0xf6: {  	v21 =	vadd.s32 v21, v32;
	v22 =	vadd.s32 v22, v30;
	v35 =	vadd.s32 v24, v31  }
0xf7: {  	v36 =	vadd.s32 v18, v23;
	v37 =	vadd.s32 v20, v26;
	v20 =	vadd.s32 v19, v27  }
0xf8: {  	v19 =	vand.u32 $0xFFFFFF80, v22;
	v18 =	vadd.s32 v25, v33;
	v38 =	vand.u32 $0xFFFFFF80, v35  }
0xf9: {  	v39 =	vand.u32 $0xFFFFFF80, v21;
	v29 =	vand.u32 $0xFFFFFF80, v36;
	v28 =	vand.u32 $0xFFFFFF80, v37  }
0xfa: {  	v30 =	vand.u32 $0x7F, v30;
	v25 =	vand.u32 $0xFFFFFF80, v20;
	v24 =	vand.u32 $0xFFFFFF80, v18  }
.Ltmp2:
0xfb: {  	v41 =	vand.u32 $0x7F, v32;
	v34 =	vand.u32 $0x7F, v23;
	v40 =	vand.u32 $0x7F, v31;
	[tilespmem:v22+s3+$0x0] =	vst.idx.add.f32.msk $0xffff, v1;
	(pc) =	sbr.rel @p0 .LBB2_7-.Ltmp2, $4  }
0xfc: {  	v32 =	vand.u32 $0x7F, v27;
	v31 =	vand.u32 $0x7F, v33;
	[tilespmem:v35+s3+$0x0] =	vst.idx.add.f32.msk $0xffff, v1;
	v35 =	vand.u32 $0x7F, v26  }
0xfd: {  	v33 =	vor.u32 v30, v19;
	v19 =	vadd.f32 $1.000000000e+00, v4;
	v22 =	vadd.f32 $1.000000000e+00, v6;
	[tilespmem:v21+s3+$0x0] =	vst.idx.add.f32.msk $0xffff, v1  }
0xfe: {  	v23 =	vadd.f32 $1.000000000e+00, v7;
	v30 =	vor.u32 v40, v38;
	v26 =	vadd.f32 $1.000000000e+00, v5;
	[tilespmem:v36+s3+$0x0] =	vst.idx.add.f32.msk $0xffff, v1  }
0xff: {  	s23 =	sadd.s32 $0x20, s23;
	s24 =	sadd.s32 $0x400, s24;
	s25 =	sadd.s32 $0x80, s25;
	v27 =	vadd.f32 $1.000000000e+00, v8;
	v21 =	vadd.f32 $1.000000000e+00, v9;
	v36 =	vor.u32 v41, v39;
	[tilespmem:v37+s3+$0x0] =	vst.idx.add.f32.msk $0xffff, v1  }
0x100: {  	_ = 	snop  }
0x101: {  	v33 =	vadd.s32 $0x2000, v33  }
0x102: {  	v29 =	vor.u32 v34, v29;
	v55 =	vadd.s32 $0x2000, v36  }
0x103: {  	v28 =	vor.u32 v35, v28;
	vm1 =	vgt.f32 v5, $0.0e+00;
	v5 =	vadd.s32 $0x2000, v30  }
0x104: {  	vm0 =	vgt.f32 v6, $0.0e+00;
	[tilespmem:v20+s3+$0x0] =	vst.idx.add.f32.msk $0xffff, v1;
	v57 =	vor.u32 v32, v25;
	v56 =	vadd.s32 $0x2000, v29  }
0x105: {  	v24 =	vor.u32 v31, v24;
	[tilespmem:v18+s3+$0x0] =	vst.idx.add.f32.msk $0xffff, v1;
	v58 =	vadd.s32 $0x2000, v28;
	v12 =	vsel vm0, v22, v12  }
0x106: {  	vm13 =	vgt.f32 v4, $0.0e+00;
	s21 =	sadd.s32 $0x1, s21;
	v13 =	vsel vm1, v26, v13;
	v60 =	vadd.s32 $0x2000, v24;
	[tilespmem:v33+s3+$0x0] =	vst.idx.add.f32.msk $0xffff, v12  }
0x107: {  	vm11 =	vgt.f32 v7, $0.0e+00;
	v59 =	vadd.s32 $0x2000, v57;
	v63 =	vsel vm13, v19, v11;
	p0 =	sne.s32 s21, $0x4;
	[tilespmem:v55+s3+$0x0] =	vst.idx.add.f32.msk $0xffff, v13  }
.Ltmp3:
0x108: {  	vm12 =	vgt.f32 v8, $0.0e+00;
	v62 =	vadd.f32 $1.000000000e+00, v10;
	v61 =	vsel vm11, v23, v14;
	[tilespmem:v5+s3+$0x0] =	vst.idx.add.f32.msk $0xffff, v63;
	(pc) =	sbr.rel @p0 .LBB2_4-.Ltmp3, $4  }
0x109: {  	vm15 =	vgt.f32 v10, $0.0e+00;
	v4 =	vsel vm12, v27, v15;
	[tilespmem:v56+s3+$0x0] =	vst.idx.add.f32.msk $0xffff, v61  }
0x10a: {  	vm14 =	vgt.f32 v9, $0.0e+00;
	v5 =	vsel vm15, v62, v17;
	[tilespmem:v58+s3+$0x0] =	vst.idx.add.f32.msk $0xffff, v4  }
0x10b: {  	v4 =	vsel vm14, v21, v16;
	[tilespmem:v60+s3+$0x0] =	vst.idx.add.f32.msk $0xffff, v5  }
0x10c: {  	[tilespmem:v59+s3+$0x0] =	vst.idx.add.f32.msk $0xffff, v4  }
0x10d: {  	s19 =	sadd.s32 $0x1, s19  }
0x10e: {  	p0 =	sne.s32 s19, s10  }
.Ltmp4:
0x10f: {  	_ = 	snop;
	(pc) =	sbr.rel @p0 .LBB2_1-.Ltmp4, $4  }
0x110: {  	[hbm4b:s9+s17] =	stream.strided.scatter [tilespmem:s3], [sflag:$0x3], $0x4000, s18, s17, $0x38;
	[tilespmem:$0x8080] =	vst v63  }
0x111: {  	_ =	swait.ge [sflag:s12], $0x4000  }
0x112: {  	[sflag:s12] =	ssyncset.done $0x0  }
0x113: {  	[sflag:s12] =	ssyncadd.s32 $0xFFFFC000  }
0x114: {  	_ =	sfence.sel $0x180000  }
0x115: {  	[bflag:$0x0] =	sbarrier.arrive $0xFFFF  }
0x116: {  	p0 =	sne.s32 s2, $0x0;
	_ =	strace $0x90000047  }
0x117: {  	s0 =	sadd.s32 @!p0 $0x100000, s0;
	[bflag:$0x2] =	sbarrier.arrive $0xFFFF  }
0x118: {  	[sflag:s0] =	ssyncadd.tile.s32 @!p0 $0x1;
	_ =	shalt  }
.Lfunc_end2:
_tile_overlayer_lowered:
.L_overlay_start_2:
0x119: {  	(tag) =	ssettag $0x2  }
0x11a: {  	s0 =	rddreg [dreg:$0x0];
	s2 =	stileid.u32  }
0x11b: {  	s1 =	rddreg [dreg:$0x1];
	p0 =	sne.s32 s2, $0x0  }
0x11c: {  	s3 =	rddreg [dreg:$0x2];
	[bflag:$0x3] =	sbarrier.arrive $0xFFFF;
	s2 =	simm.s32 @!p0 $0x1C03  }
0x11d: {  	[timem:s3], [sflag:s2] =	dma.local @!p0 [hbm:s0], s1  }
0x11e: {  	s0 =	simm.s32 @!p0 $0x3  }
0x11f: {  	_ =	swait.ge @!p0 [sflag:s0], s1  }
0x120: {  	s1 =	ssub.s32 @!p0 $0x0, s1;
	[sflag:s0] =	ssyncset.done @!p0 $0x0  }
0x121: {  	[sflag:s0] =	ssyncadd.s32 @!p0 s1  }
0x122: {  	[bflag:$0x3] =	sbarrier.arrive $0xFFFF  }
0x123: {  	_ =	shalt  }

</sc_bundles>
